<compile_context>
chip_gen: v7x
topology: tpu7x:2x2x1
jax: 0.10.2.dev20260603
libtpu: 0.0.44.dev20260713+nightly
codegen_flags: <defaults>
</compile_context>

<pallas_src>
import functools

import jax
import jax.numpy as jnp
from jax import lax
from jax.experimental import pallas as pl
from jax.experimental.pallas import tpu as pltpu
from jax.experimental.pallas import tpu_sc as plsc

ENTITY_NUM = 100000
HIDDEN_DIM = 128
E = ENTITY_NUM * HIDDEN_DIM

NC = 2
NS = 16
NW = NC * NS
LANES = 16

PER_W = E // NW
DEPTH = 2
CHUNK = 10000
NCHUNK = PER_W // CHUNK

_mesh = plsc.VectorSubcoreMesh(core_axis_name="c", subcore_axis_name="s")


@functools.partial(
    pl.kernel,
    mesh=_mesh,
    out_type=[
        jax.ShapeDtypeStruct((E,), jnp.float32),
        jax.ShapeDtypeStruct((E,), jnp.float32),
    ],
    scratch_types=(
        [pltpu.VMEM((CHUNK,), jnp.float32)] * (5 * DEPTH)
        + [pltpu.SemaphoreType.DMA] * (2 * DEPTH)
    ),
)
def _gate_fuse(x_hbm, y_hbm, t_hbm, out_hbm, gate_hbm, *scratch):
    bufs = scratch[: 5 * DEPTH]
    sems = scratch[5 * DEPTH:]
    xv = bufs[0:DEPTH]
    yv = bufs[DEPTH:2 * DEPTH]
    tv = bufs[2 * DEPTH:3 * DEPTH]
    ov = bufs[3 * DEPTH:4 * DEPTH]
    gv = bufs[4 * DEPTH:5 * DEPTH]
    sem_in = sems[0:DEPTH]
    sem_out = sems[DEPTH:2 * DEPTH]

    wid = lax.axis_index("s") * NC + lax.axis_index("c")
    base = wid * CHUNK

    def start_in(c, b):
        off = base + c * (NW * CHUNK)
        pltpu.async_copy(x_hbm.at[pl.ds(off, CHUNK)], xv[b], sem_in[b])
        pltpu.async_copy(y_hbm.at[pl.ds(off, CHUNK)], yv[b], sem_in[b])
        pltpu.async_copy(t_hbm.at[pl.ds(off, CHUNK)], tv[b], sem_in[b])

    def drain_in(b):
        for dst in (xv[b], yv[b], tv[b]):
            pltpu.make_async_copy(x_hbm.at[pl.ds(0, CHUNK)], dst, sem_in[b]).wait()

    def start_out(c, b):
        off = base + c * (NW * CHUNK)
        pltpu.async_copy(ov[b], out_hbm.at[pl.ds(off, CHUNK)], sem_out[b])
        pltpu.async_copy(gv[b], gate_hbm.at[pl.ds(off, CHUNK)], sem_out[b])

    def drain_out(b):
        pltpu.make_async_copy(ov[b], out_hbm.at[pl.ds(0, CHUNK)], sem_out[b]).wait()
        pltpu.make_async_copy(gv[b], gate_hbm.at[pl.ds(0, CHUNK)], sem_out[b]).wait()

    for b in range(DEPTH):
        start_in(b, b)

    def round_body(g, carry):
        for b in range(DEPTH):
            c = DEPTH * g + b
            drain_in(b)

            @pl.when(g > 0)
            def _():
                drain_out(b)

            @plsc.parallel_loop(0, CHUNK, step=LANES, unroll=16)
            def _(i):
                s = pl.ds(i, LANES)
                t = tv[b][s]
                g16 = 1.0 / (1.0 + jnp.exp(-t))
                gv[b][s] = g16
                ov[b][s] = yv[b][s] + g16 * (xv[b][s] - yv[b][s])

            @pl.when(c + DEPTH < NCHUNK)
            def _():
                start_in(c + DEPTH, b)

            start_out(c, b)

        return carry

    lax.fori_loop(0, NCHUNK // DEPTH, round_body, 0)
    for b in range(DEPTH):
        drain_out(b)


def kernel(X, Y, gate_theta):
    x = X.reshape(E)
    y = Y.reshape(E)
    t = gate_theta.reshape(E)
    out, gate = _gate_fuse(x, y, t)
    return out.reshape(X.shape), gate.reshape(X.shape)

# --- scband reference (transcript-rebuilt; emitter-appended) ---
"""Pipeline reference for scband-egs-36782099923103 (READ-ONLY COPY).

The authoritative reference and input builder live on the scoring server;
editing this copy changes nothing except your own understanding.
"""

import jax, jax.numpy as jnp
import numpy as np

ENTITY_NUM = 100000
HIDDEN_DIM = 128


def _xavier_uniform(key, shape):
    fan_in, fan_out = shape[1], shape[0]
    limit = float(np.sqrt(6.0 / (fan_in + fan_out)))
    return jax.random.uniform(key, shape, dtype=jnp.float32, minval=-limit, maxval=limit)


def setup_inputs(seed: int = 0) -> dict:
    key = jax.random.key(seed)
    k_x, k_y, k_theta = jax.random.split(key, 3)
    X = jax.random.normal(k_x, (ENTITY_NUM, HIDDEN_DIM), dtype=jnp.float32)
    Y = jax.random.normal(k_y, (ENTITY_NUM, HIDDEN_DIM), dtype=jnp.float32)
    gate_theta = _xavier_uniform(k_theta, (ENTITY_NUM, HIDDEN_DIM))
    return {"X": X, "Y": Y, "gate_theta": gate_theta}


def reference(X, Y, gate_theta):
    # GatingMechanism.forward: gate = sigmoid(theta); out = gate*X + (1-gate)*Y
    gate = jax.nn.sigmoid(gate_theta)
    output = gate * X + (1.0 - gate) * Y
    return (output, gate)

if __name__ == "__main__":
    import jax
    _d = setup_inputs()
    print(jax.jit(kernel)(*tuple(_d.values())))

</pallas_src>

<mosaic_0001>
#map = affine_map<(d0, d1) -> (0)>
module attributes {stable_mosaic.version = 14 : i64} {
  func.func @_gate_fuse(%arg0: i32, %arg1: i32, %arg2: memref<12800000xf32, #tpu.memory_space<hbm>>, %arg3: memref<12800000xf32, #tpu.memory_space<hbm>>, %arg4: memref<12800000xf32, #tpu.memory_space<hbm>>, %arg5: memref<12800000xf32, #tpu.memory_space<hbm>>, %arg6: memref<12800000xf32, #tpu.memory_space<hbm>>, %arg7: memref<10000xf32, #tpu.memory_space<vmem>>, %arg8: memref<10000xf32, #tpu.memory_space<vmem>>, %arg9: memref<10000xf32, #tpu.memory_space<vmem>>, %arg10: memref<10000xf32, #tpu.memory_space<vmem>>, %arg11: memref<10000xf32, #tpu.memory_space<vmem>>, %arg12: memref<10000xf32, #tpu.memory_space<vmem>>, %arg13: memref<10000xf32, #tpu.memory_space<vmem>>, %arg14: memref<10000xf32, #tpu.memory_space<vmem>>, %arg15: memref<10000xf32, #tpu.memory_space<vmem>>, %arg16: memref<10000xf32, #tpu.memory_space<vmem>>, %arg17: memref<!tpu.dma_semaphore, #tpu.memory_space<semaphore_mem>>, %arg18: memref<!tpu.dma_semaphore, #tpu.memory_space<semaphore_mem>>, %arg19: memref<!tpu.dma_semaphore, #tpu.memory_space<semaphore_mem>>, %arg20: memref<!tpu.dma_semaphore, #tpu.memory_space<semaphore_mem>>) attributes {dimension_semantics = [#tpu.dimension_semantics<core_parallel>, #tpu.dimension_semantics<subcore_parallel>], iteration_bounds = array<i64: 2, 16>, scalar_prefetch = 0 : i64, scratch_operands = 14 : i64, tpu.core_type = #tpu.core_type<sc_vector_subcore>, window_params = [{transform_indices = #map}, {transform_indices = #map}, {transform_indices = #map}, {transform_indices = #map}, {transform_indices = #map}]} {
    %mul3A = arith.constant 2 : i32
    %mul3A_0 = arith.muli %arg1, %mul3A : i32
    %add3A = arith.addi %mul3A_0, %arg0 : i32
    %mul3A_1 = arith.constant 10000 : i32
    %mul3A_2 = arith.muli %add3A, %mul3A_1 : i32
    %add3A_3 = arith.constant 0 : i32
    %add3A_4 = arith.addi %mul3A_2, %add3A_3 : i32
    %dma_start3A = tpu.memref_slice %arg2[%add3A_4] : memref<12800000xf32, #tpu.memory_space<hbm>> -> memref<10000xf32, #tpu.memory_space<hbm>>
    %dma_start3A_5 = tpu.memref_slice %arg2[%add3A_4] : memref<12800000xf32, #tpu.memory_space<hbm>> -> memref<10000xf32, #tpu.memory_space<hbm>>
    tpu.enqueue_dma source(%dma_start3A_5 : memref<10000xf32, #tpu.memory_space<hbm>>) target(%arg7 : memref<10000xf32, #tpu.memory_space<vmem>>) target_semaphore(%arg17 : memref<!tpu.dma_semaphore, #tpu.memory_space<semaphore_mem>>)
    %dma_start3A_6 = tpu.memref_slice %arg3[%add3A_4] : memref<12800000xf32, #tpu.memory_space<hbm>> -> memref<10000xf32, #tpu.memory_space<hbm>>
    %dma_start3A_7 = tpu.memref_slice %arg3[%add3A_4] : memref<12800000xf32, #tpu.memory_space<hbm>> -> memref<10000xf32, #tpu.memory_space<hbm>>
    tpu.enqueue_dma source(%dma_start3A_7 : memref<10000xf32, #tpu.memory_space<hbm>>) target(%arg9 : memref<10000xf32, #tpu.memory_space<vmem>>) target_semaphore(%arg17 : memref<!tpu.dma_semaphore, #tpu.memory_space<semaphore_mem>>)
    %dma_start3A_8 = tpu.memref_slice %arg4[%add3A_4] : memref<12800000xf32, #tpu.memory_space<hbm>> -> memref<10000xf32, #tpu.memory_space<hbm>>
    %dma_start3A_9 = tpu.memref_slice %arg4[%add3A_4] : memref<12800000xf32, #tpu.memory_space<hbm>> -> memref<10000xf32, #tpu.memory_space<hbm>>
    tpu.enqueue_dma source(%dma_start3A_9 : memref<10000xf32, #tpu.memory_space<hbm>>) target(%arg11 : memref<10000xf32, #tpu.memory_space<vmem>>) target_semaphore(%arg17 : memref<!tpu.dma_semaphore, #tpu.memory_space<semaphore_mem>>)
    %add3A_10 = arith.constant 320000 : i32
    %add3A_11 = arith.addi %mul3A_2, %add3A_10 : i32
    %dma_start3A_12 = tpu.memref_slice %arg2[%add3A_11] : memref<12800000xf32, #tpu.memory_space<hbm>> -> memref<10000xf32, #tpu.memory_space<hbm>>
    %dma_start3A_13 = tpu.memref_slice %arg2[%add3A_11] : memref<12800000xf32, #tpu.memory_space<hbm>> -> memref<10000xf32, #tpu.memory_space<hbm>>
    tpu.enqueue_dma source(%dma_start3A_13 : memref<10000xf32, #tpu.memory_space<hbm>>) target(%arg8 : memref<10000xf32, #tpu.memory_space<vmem>>) target_semaphore(%arg18 : memref<!tpu.dma_semaphore, #tpu.memory_space<semaphore_mem>>)
    %dma_start3A_14 = tpu.memref_slice %arg3[%add3A_11] : memref<12800000xf32, #tpu.memory_space<hbm>> -> memref<10000xf32, #tpu.memory_space<hbm>>
    %dma_start3A_15 = tpu.memref_slice %arg3[%add3A_11] : memref<12800000xf32, #tpu.memory_space<hbm>> -> memref<10000xf32, #tpu.memory_space<hbm>>
    tpu.enqueue_dma source(%dma_start3A_15 : memref<10000xf32, #tpu.memory_space<hbm>>) target(%arg10 : memref<10000xf32, #tpu.memory_space<vmem>>) target_semaphore(%arg18 : memref<!tpu.dma_semaphore, #tpu.memory_space<semaphore_mem>>)
    %dma_start3A_16 = tpu.memref_slice %arg4[%add3A_11] : memref<12800000xf32, #tpu.memory_space<hbm>> -> memref<10000xf32, #tpu.memory_space<hbm>>
    %dma_start3A_17 = tpu.memref_slice %arg4[%add3A_11] : memref<12800000xf32, #tpu.memory_space<hbm>> -> memref<10000xf32, #tpu.memory_space<hbm>>
    tpu.enqueue_dma source(%dma_start3A_17 : memref<10000xf32, #tpu.memory_space<hbm>>) target(%arg12 : memref<10000xf32, #tpu.memory_space<vmem>>) target_semaphore(%arg18 : memref<!tpu.dma_semaphore, #tpu.memory_space<semaphore_mem>>)
    %scan3A = arith.constant 0 : i32
    %scan3A_18 = arith.constant 0 : i32
    %scan3A_19 = arith.constant 20 : i32
    %scan3A_20 = arith.addi %scan3A_18, %scan3A_19 : i32
    %scan3A_21 = arith.constant 1 : i32
    scf.for %scan3A_38 = %scan3A_18 to %scan3A_20 step %scan3A_21  : i32 {
      %mul3A_39 = arith.constant 2 : i32
      %mul3A_40 = arith.muli %mul3A_39, %scan3A_38 : i32
      %add3A_41 = arith.constant 0 : i32
      %add3A_42 = arith.addi %mul3A_40, %add3A_41 : i32
      %dma_wait3A_43 = arith.constant 0 : i32
      %dma_wait3A_44 = tpu.memref_slice %arg2[%dma_wait3A_43] : memref<12800000xf32, #tpu.memory_space<hbm>> -> memref<10000xf32, #tpu.memory_space<hbm>>
      %dma_wait3A_45 = arith.constant 0 : i32
      %dma_wait3A_46 = tpu.memref_slice %arg2[%dma_wait3A_45] : memref<12800000xf32, #tpu.memory_space<hbm>> -> memref<10000xf32, #tpu.memory_space<hbm>>
      tpu.wait_dma2 semaphore(%arg17 : memref<!tpu.dma_semaphore, #tpu.memory_space<semaphore_mem>>) src(%dma_wait3A_46 : memref<10000xf32, #tpu.memory_space<hbm>>) dst(%arg7 : memref<10000xf32, #tpu.memory_space<vmem>>)
      %dma_wait3A_47 = arith.constant 0 : i32
      %dma_wait3A_48 = tpu.memref_slice %arg2[%dma_wait3A_47] : memref<12800000xf32, #tpu.memory_space<hbm>> -> memref<10000xf32, #tpu.memory_space<hbm>>
      %dma_wait3A_49 = arith.constant 0 : i32
      %dma_wait3A_50 = tpu.memref_slice %arg2[%dma_wait3A_49] : memref<12800000xf32, #tpu.memory_space<hbm>> -> memref<10000xf32, #tpu.memory_space<hbm>>
      tpu.wait_dma2 semaphore(%arg17 : memref<!tpu.dma_semaphore, #tpu.memory_space<semaphore_mem>>) src(%dma_wait3A_50 : memref<10000xf32, #tpu.memory_space<hbm>>) dst(%arg9 : memref<10000xf32, #tpu.memory_space<vmem>>)
      %dma_wait3A_51 = arith.constant 0 : i32
      %dma_wait3A_52 = tpu.memref_slice %arg2[%dma_wait3A_51] : memref<12800000xf32, #tpu.memory_space<hbm>> -> memref<10000xf32, #tpu.memory_space<hbm>>
      %dma_wait3A_53 = arith.constant 0 : i32
      %dma_wait3A_54 = tpu.memref_slice %arg2[%dma_wait3A_53] : memref<12800000xf32, #tpu.memory_space<hbm>> -> memref<10000xf32, #tpu.memory_space<hbm>>
      tpu.wait_dma2 semaphore(%arg17 : memref<!tpu.dma_semaphore, #tpu.memory_space<semaphore_mem>>) src(%dma_wait3A_54 : memref<10000xf32, #tpu.memory_space<hbm>>) dst(%arg11 : memref<10000xf32, #tpu.memory_space<vmem>>)
      %gt3A = arith.constant 0 : i32
      %gt3A_55 = arith.cmpi sgt, %scan3A_38, %gt3A : i32
      %convert_element_type3A = arith.extui %gt3A_55 : i1 to i32
      %cond3A = arith.constant 0 : i32
      %cond3A_56 = arith.cmpi ne, %convert_element_type3A, %cond3A : i32
      scf.if %cond3A_56 {
        %dma_wait3A_110 = arith.constant 0 : i32
        %dma_wait3A_111 = tpu.memref_slice %arg5[%dma_wait3A_110] : memref<12800000xf32, #tpu.memory_space<hbm>> -> memref<10000xf32, #tpu.memory_space<hbm>>
        %dma_wait3A_112 = arith.constant 0 : i32
        %dma_wait3A_113 = tpu.memref_slice %arg5[%dma_wait3A_112] : memref<12800000xf32, #tpu.memory_space<hbm>> -> memref<10000xf32, #tpu.memory_space<hbm>>
        tpu.wait_dma2 semaphore(%arg19 : memref<!tpu.dma_semaphore, #tpu.memory_space<semaphore_mem>>) src(%arg13 : memref<10000xf32, #tpu.memory_space<vmem>>) dst(%dma_wait3A_113 : memref<10000xf32, #tpu.memory_space<hbm>>)
        %dma_wait3A_114 = arith.constant 0 : i32
        %dma_wait3A_115 = tpu.memref_slice %arg6[%dma_wait3A_114] : memref<12800000xf32, #tpu.memory_space<hbm>> -> memref<10000xf32, #tpu.memory_space<hbm>>
        %dma_wait3A_116 = arith.constant 0 : i32
        %dma_wait3A_117 = tpu.memref_slice %arg6[%dma_wait3A_116] : memref<12800000xf32, #tpu.memory_space<hbm>> -> memref<10000xf32, #tpu.memory_space<hbm>>
        tpu.wait_dma2 semaphore(%arg19 : memref<!tpu.dma_semaphore, #tpu.memory_space<semaphore_mem>>) src(%arg15 : memref<10000xf32, #tpu.memory_space<vmem>>) dst(%dma_wait3A_117 : memref<10000xf32, #tpu.memory_space<hbm>>)
      } else {
      }
      %parallel_loop3A = arith.constant 0 : i32
      %parallel_loop3A_57 = arith.constant 10000 : i32
      %parallel_loop3A_58 = arith.constant 16 : i32
      scf.for %parallel_loop3A_110 = %parallel_loop3A to %parallel_loop3A_57 step %parallel_loop3A_58  : i32 {
        %parallel_loop3A_111 = arith.index_cast %parallel_loop3A_110 : i32 to index
        %parallel_loop3A_112 = tpu.vector_load %arg11[%parallel_loop3A_111] {strides = array<i32>} : memref<10000xf32, #tpu.memory_space<vmem>>, vector<16xf32>,
        %parallel_loop3A_113 = vector.shape_cast %parallel_loop3A_112 : vector<16xf32> to vector<16xf32>
        %parallel_loop3A_114 = arith.constant 0.000000e+00 : f32
        %parallel_loop3A_115 = vector.broadcast %parallel_loop3A_114 : f32 to vector<16xf32>
        %parallel_loop3A_116 = arith.subf %parallel_loop3A_115, %parallel_loop3A_113 : vector<16xf32>
        %parallel_loop3A_117 = math.exp %parallel_loop3A_116 : vector<16xf32>
        %parallel_loop3A_118 = arith.constant 1.000000e+00 : f32
        %parallel_loop3A_119 = vector.broadcast %parallel_loop3A_118 : f32 to vector<16xf32>
        %parallel_loop3A_120 = arith.addf %parallel_loop3A_119, %parallel_loop3A_117 : vector<16xf32>
        %parallel_loop3A_121 = arith.constant 1.000000e+00 : f32
        %parallel_loop3A_122 = vector.broadcast %parallel_loop3A_121 : f32 to vector<16xf32>
        %parallel_loop3A_123 = arith.divf %parallel_loop3A_122, %parallel_loop3A_120 : vector<16xf32>
        %parallel_loop3A_124 = arith.index_cast %parallel_loop3A_110 : i32 to index
        %parallel_loop3A_125 = tpu.vector_load %arg15[%parallel_loop3A_124] {strides = array<i32>} : memref<10000xf32, #tpu.memory_space<vmem>>, vector<16xf32>,
        %parallel_loop3A_126 = vector.shape_cast %parallel_loop3A_125 : vector<16xf32> to vector<16xf32>
        %parallel_loop3A_127 = vector.shape_cast %parallel_loop3A_123 : vector<16xf32> to vector<16xf32>
        tpu.vector_store %arg15[%parallel_loop3A_124], %parallel_loop3A_127 {strides = array<i32>} : memref<10000xf32, #tpu.memory_space<vmem>>, vector<16xf32>,
        %parallel_loop3A_128 = arith.index_cast %parallel_loop3A_110 : i32 to index
        %parallel_loop3A_129 = tpu.vector_load %arg9[%parallel_loop3A_128] {strides = array<i32>} : memref<10000xf32, #tpu.memory_space<vmem>>, vector<16xf32>,
        %parallel_loop3A_130 = vector.shape_cast %parallel_loop3A_129 : vector<16xf32> to vector<16xf32>
        %parallel_loop3A_131 = arith.index_cast %parallel_loop3A_110 : i32 to index
        %parallel_loop3A_132 = tpu.vector_load %arg7[%parallel_loop3A_131] {strides = array<i32>} : memref<10000xf32, #tpu.memory_space<vmem>>, vector<16xf32>,
        %parallel_loop3A_133 = vector.shape_cast %parallel_loop3A_132 : vector<16xf32> to vector<16xf32>
        %parallel_loop3A_134 = arith.index_cast %parallel_loop3A_110 : i32 to index
        %parallel_loop3A_135 = tpu.vector_load %arg9[%parallel_loop3A_134] {strides = array<i32>} : memref<10000xf32, #tpu.memory_space<vmem>>, vector<16xf32>,
        %parallel_loop3A_136 = vector.shape_cast %parallel_loop3A_135 : vector<16xf32> to vector<16xf32>
        %parallel_loop3A_137 = arith.subf %parallel_loop3A_133, %parallel_loop3A_136 : vector<16xf32>
        %parallel_loop3A_138 = arith.mulf %parallel_loop3A_123, %parallel_loop3A_137 : vector<16xf32>
        %parallel_loop3A_139 = arith.addf %parallel_loop3A_130, %parallel_loop3A_138 : vector<16xf32>
        %parallel_loop3A_140 = arith.index_cast %parallel_loop3A_110 : i32 to index
        %parallel_loop3A_141 = tpu.vector_load %arg13[%parallel_loop3A_140] {strides = array<i32>} : memref<10000xf32, #tpu.memory_space<vmem>>, vector<16xf32>,
        %parallel_loop3A_142 = vector.shape_cast %parallel_loop3A_141 : vector<16xf32> to vector<16xf32>
        %parallel_loop3A_143 = vector.shape_cast %parallel_loop3A_139 : vector<16xf32> to vector<16xf32>
        tpu.vector_store %arg13[%parallel_loop3A_140], %parallel_loop3A_143 {strides = array<i32>} : memref<10000xf32, #tpu.memory_space<vmem>>, vector<16xf32>,
      } {sc.loop_unroll_factor = 16 : i64, sc.parallel_access}
      %add3A_59 = arith.constant 2 : i32
      %add3A_60 = arith.addi %add3A_42, %add3A_59 : i32
      %lt3A = arith.constant 40 : i32
      %lt3A_61 = arith.cmpi slt, %add3A_60, %lt3A : i32
      %convert_element_type3A_62 = arith.extui %lt3A_61 : i1 to i32
      %cond3A_63 = arith.constant 0 : i32
      %cond3A_64 = arith.cmpi ne, %convert_element_type3A_62, %cond3A_63 : i32
      scf.if %cond3A_64 {
        %add3A_110 = arith.constant 2 : i32
        %add3A_111 = arith.addi %add3A_42, %add3A_110 : i32
        %mul3A_112 = arith.constant 320000 : i32
        %mul3A_113 = arith.muli %add3A_111, %mul3A_112 : i32
        %add3A_114 = arith.addi %mul3A_2, %mul3A_113 : i32
        %dma_start3A_115 = tpu.memref_slice %arg2[%add3A_114] : memref<12800000xf32, #tpu.memory_space<hbm>> -> memref<10000xf32, #tpu.memory_space<hbm>>
        %dma_start3A_116 = tpu.memref_slice %arg2[%add3A_114] : memref<12800000xf32, #tpu.memory_space<hbm>> -> memref<10000xf32, #tpu.memory_space<hbm>>
        tpu.enqueue_dma source(%dma_start3A_116 : memref<10000xf32, #tpu.memory_space<hbm>>) target(%arg7 : memref<10000xf32, #tpu.memory_space<vmem>>) target_semaphore(%arg17 : memref<!tpu.dma_semaphore, #tpu.memory_space<semaphore_mem>>)
        %dma_start3A_117 = tpu.memref_slice %arg3[%add3A_114] : memref<12800000xf32, #tpu.memory_space<hbm>> -> memref<10000xf32, #tpu.memory_space<hbm>>
        %dma_start3A_118 = tpu.memref_slice %arg3[%add3A_114] : memref<12800000xf32, #tpu.memory_space<hbm>> -> memref<10000xf32, #tpu.memory_space<hbm>>
        tpu.enqueue_dma source(%dma_start3A_118 : memref<10000xf32, #tpu.memory_space<hbm>>) target(%arg9 : memref<10000xf32, #tpu.memory_space<vmem>>) target_semaphore(%arg17 : memref<!tpu.dma_semaphore, #tpu.memory_space<semaphore_mem>>)
        %dma_start3A_119 = tpu.memref_slice %arg4[%add3A_114] : memref<12800000xf32, #tpu.memory_space<hbm>> -> memref<10000xf32, #tpu.memory_space<hbm>>
        %dma_start3A_120 = tpu.memref_slice %arg4[%add3A_114] : memref<12800000xf32, #tpu.memory_space<hbm>> -> memref<10000xf32, #tpu.memory_space<hbm>>
        tpu.enqueue_dma source(%dma_start3A_120 : memref<10000xf32, #tpu.memory_space<hbm>>) target(%arg11 : memref<10000xf32, #tpu.memory_space<vmem>>) target_semaphore(%arg17 : memref<!tpu.dma_semaphore, #tpu.memory_space<semaphore_mem>>)
      } else {
      }
      %mul3A_65 = arith.constant 320000 : i32
      %mul3A_66 = arith.muli %add3A_42, %mul3A_65 : i32
      %add3A_67 = arith.addi %mul3A_2, %mul3A_66 : i32
      %dma_start3A_68 = tpu.memref_slice %arg5[%add3A_67] : memref<12800000xf32, #tpu.memory_space<hbm>> -> memref<10000xf32, #tpu.memory_space<hbm>>
      %dma_start3A_69 = tpu.memref_slice %arg5[%add3A_67] : memref<12800000xf32, #tpu.memory_space<hbm>> -> memref<10000xf32, #tpu.memory_space<hbm>>
      tpu.enqueue_dma source(%arg13 : memref<10000xf32, #tpu.memory_space<vmem>>) target(%dma_start3A_69 : memref<10000xf32, #tpu.memory_space<hbm>>) target_semaphore(%arg19 : memref<!tpu.dma_semaphore, #tpu.memory_space<semaphore_mem>>)
      %dma_start3A_70 = tpu.memref_slice %arg6[%add3A_67] : memref<12800000xf32, #tpu.memory_space<hbm>> -> memref<10000xf32, #tpu.memory_space<hbm>>
      %dma_start3A_71 = tpu.memref_slice %arg6[%add3A_67] : memref<12800000xf32, #tpu.memory_space<hbm>> -> memref<10000xf32, #tpu.memory_space<hbm>>
      tpu.enqueue_dma source(%arg15 : memref<10000xf32, #tpu.memory_space<vmem>>) target(%dma_start3A_71 : memref<10000xf32, #tpu.memory_space<hbm>>) target_semaphore(%arg19 : memref<!tpu.dma_semaphore, #tpu.memory_space<semaphore_mem>>)
      %mul3A_72 = arith.constant 2 : i32
      %mul3A_73 = arith.muli %mul3A_72, %scan3A_38 : i32
      %add3A_74 = arith.constant 1 : i32
      %add3A_75 = arith.addi %mul3A_73, %add3A_74 : i32
      %dma_wait3A_76 = arith.constant 0 : i32
      %dma_wait3A_77 = tpu.memref_slice %arg2[%dma_wait3A_76] : memref<12800000xf32, #tpu.memory_space<hbm>> -> memref<10000xf32, #tpu.memory_space<hbm>>
      %dma_wait3A_78 = arith.constant 0 : i32
      %dma_wait3A_79 = tpu.memref_slice %arg2[%dma_wait3A_78] : memref<12800000xf32, #tpu.memory_space<hbm>> -> memref<10000xf32, #tpu.memory_space<hbm>>
      tpu.wait_dma2 semaphore(%arg18 : memref<!tpu.dma_semaphore, #tpu.memory_space<semaphore_mem>>) src(%dma_wait3A_79 : memref<10000xf32, #tpu.memory_space<hbm>>) dst(%arg8 : memref<10000xf32, #tpu.memory_space<vmem>>)
      %dma_wait3A_80 = arith.constant 0 : i32
      %dma_wait3A_81 = tpu.memref_slice %arg2[%dma_wait3A_80] : memref<12800000xf32, #tpu.memory_space<hbm>> -> memref<10000xf32, #tpu.memory_space<hbm>>
      %dma_wait3A_82 = arith.constant 0 : i32
      %dma_wait3A_83 = tpu.memref_slice %arg2[%dma_wait3A_82] : memref<12800000xf32, #tpu.memory_space<hbm>> -> memref<10000xf32, #tpu.memory_space<hbm>>
      tpu.wait_dma2 semaphore(%arg18 : memref<!tpu.dma_semaphore, #tpu.memory_space<semaphore_mem>>) src(%dma_wait3A_83 : memref<10000xf32, #tpu.memory_space<hbm>>) dst(%arg10 : memref<10000xf32, #tpu.memory_space<vmem>>)
      %dma_wait3A_84 = arith.constant 0 : i32
      %dma_wait3A_85 = tpu.memref_slice %arg2[%dma_wait3A_84] : memref<12800000xf32, #tpu.memory_space<hbm>> -> memref<10000xf32, #tpu.memory_space<hbm>>
      %dma_wait3A_86 = arith.constant 0 : i32
      %dma_wait3A_87 = tpu.memref_slice %arg2[%dma_wait3A_86] : memref<12800000xf32, #tpu.memory_space<hbm>> -> memref<10000xf32, #tpu.memory_space<hbm>>
      tpu.wait_dma2 semaphore(%arg18 : memref<!tpu.dma_semaphore, #tpu.memory_space<semaphore_mem>>) src(%dma_wait3A_87 : memref<10000xf32, #tpu.memory_space<hbm>>) dst(%arg12 : memref<10000xf32, #tpu.memory_space<vmem>>)
      %gt3A_88 = arith.constant 0 : i32
      %gt3A_89 = arith.cmpi sgt, %scan3A_38, %gt3A_88 : i32
      %convert_element_type3A_90 = arith.extui %gt3A_89 : i1 to i32
      %cond3A_91 = arith.constant 0 : i32
      %cond3A_92 = arith.cmpi ne, %convert_element_type3A_90, %cond3A_91 : i32
      scf.if %cond3A_92 {
        %dma_wait3A_110 = arith.constant 0 : i32
        %dma_wait3A_111 = tpu.memref_slice %arg5[%dma_wait3A_110] : memref<12800000xf32, #tpu.memory_space<hbm>> -> memref<10000xf32, #tpu.memory_space<hbm>>
        %dma_wait3A_112 = arith.constant 0 : i32
        %dma_wait3A_113 = tpu.memref_slice %arg5[%dma_wait3A_112] : memref<12800000xf32, #tpu.memory_space<hbm>> -> memref<10000xf32, #tpu.memory_space<hbm>>
        tpu.wait_dma2 semaphore(%arg20 : memref<!tpu.dma_semaphore, #tpu.memory_space<semaphore_mem>>) src(%arg14 : memref<10000xf32, #tpu.memory_space<vmem>>) dst(%dma_wait3A_113 : memref<10000xf32, #tpu.memory_space<hbm>>)
        %dma_wait3A_114 = arith.constant 0 : i32
        %dma_wait3A_115 = tpu.memref_slice %arg6[%dma_wait3A_114] : memref<12800000xf32, #tpu.memory_space<hbm>> -> memref<10000xf32, #tpu.memory_space<hbm>>
        %dma_wait3A_116 = arith.constant 0 : i32
        %dma_wait3A_117 = tpu.memref_slice %arg6[%dma_wait3A_116] : memref<12800000xf32, #tpu.memory_space<hbm>> -> memref<10000xf32, #tpu.memory_space<hbm>>
        tpu.wait_dma2 semaphore(%arg20 : memref<!tpu.dma_semaphore, #tpu.memory_space<semaphore_mem>>) src(%arg16 : memref<10000xf32, #tpu.memory_space<vmem>>) dst(%dma_wait3A_117 : memref<10000xf32, #tpu.memory_space<hbm>>)
      } else {
      }
      %parallel_loop3A_93 = arith.constant 0 : i32
      %parallel_loop3A_94 = arith.constant 10000 : i32
      %parallel_loop3A_95 = arith.constant 16 : i32
      scf.for %parallel_loop3A_110 = %parallel_loop3A_93 to %parallel_loop3A_94 step %parallel_loop3A_95  : i32 {
        %parallel_loop3A_111 = arith.index_cast %parallel_loop3A_110 : i32 to index
        %parallel_loop3A_112 = tpu.vector_load %arg12[%parallel_loop3A_111] {strides = array<i32>} : memref<10000xf32, #tpu.memory_space<vmem>>, vector<16xf32>,
        %parallel_loop3A_113 = vector.shape_cast %parallel_loop3A_112 : vector<16xf32> to vector<16xf32>
        %parallel_loop3A_114 = arith.constant 0.000000e+00 : f32
        %parallel_loop3A_115 = vector.broadcast %parallel_loop3A_114 : f32 to vector<16xf32>
        %parallel_loop3A_116 = arith.subf %parallel_loop3A_115, %parallel_loop3A_113 : vector<16xf32>
        %parallel_loop3A_117 = math.exp %parallel_loop3A_116 : vector<16xf32>
        %parallel_loop3A_118 = arith.constant 1.000000e+00 : f32
        %parallel_loop3A_119 = vector.broadcast %parallel_loop3A_118 : f32 to vector<16xf32>
        %parallel_loop3A_120 = arith.addf %parallel_loop3A_119, %parallel_loop3A_117 : vector<16xf32>
        %parallel_loop3A_121 = arith.constant 1.000000e+00 : f32
        %parallel_loop3A_122 = vector.broadcast %parallel_loop3A_121 : f32 to vector<16xf32>
        %parallel_loop3A_123 = arith.divf %parallel_loop3A_122, %parallel_loop3A_120 : vector<16xf32>
        %parallel_loop3A_124 = arith.index_cast %parallel_loop3A_110 : i32 to index
        %parallel_loop3A_125 = tpu.vector_load %arg16[%parallel_loop3A_124] {strides = array<i32>} : memref<10000xf32, #tpu.memory_space<vmem>>, vector<16xf32>,
        %parallel_loop3A_126 = vector.shape_cast %parallel_loop3A_125 : vector<16xf32> to vector<16xf32>
        %parallel_loop3A_127 = vector.shape_cast %parallel_loop3A_123 : vector<16xf32> to vector<16xf32>
        tpu.vector_store %arg16[%parallel_loop3A_124], %parallel_loop3A_127 {strides = array<i32>} : memref<10000xf32, #tpu.memory_space<vmem>>, vector<16xf32>,
        %parallel_loop3A_128 = arith.index_cast %parallel_loop3A_110 : i32 to index
        %parallel_loop3A_129 = tpu.vector_load %arg10[%parallel_loop3A_128] {strides = array<i32>} : memref<10000xf32, #tpu.memory_space<vmem>>, vector<16xf32>,
        %parallel_loop3A_130 = vector.shape_cast %parallel_loop3A_129 : vector<16xf32> to vector<16xf32>
        %parallel_loop3A_131 = arith.index_cast %parallel_loop3A_110 : i32 to index
        %parallel_loop3A_132 = tpu.vector_load %arg8[%parallel_loop3A_131] {strides = array<i32>} : memref<10000xf32, #tpu.memory_space<vmem>>, vector<16xf32>,
        %parallel_loop3A_133 = vector.shape_cast %parallel_loop3A_132 : vector<16xf32> to vector<16xf32>
        %parallel_loop3A_134 = arith.index_cast %parallel_loop3A_110 : i32 to index
        %parallel_loop3A_135 = tpu.vector_load %arg10[%parallel_loop3A_134] {strides = array<i32>} : memref<10000xf32, #tpu.memory_space<vmem>>, vector<16xf32>,
        %parallel_loop3A_136 = vector.shape_cast %parallel_loop3A_135 : vector<16xf32> to vector<16xf32>
        %parallel_loop3A_137 = arith.subf %parallel_loop3A_133, %parallel_loop3A_136 : vector<16xf32>
        %parallel_loop3A_138 = arith.mulf %parallel_loop3A_123, %parallel_loop3A_137 : vector<16xf32>
        %parallel_loop3A_139 = arith.addf %parallel_loop3A_130, %parallel_loop3A_138 : vector<16xf32>
        %parallel_loop3A_140 = arith.index_cast %parallel_loop3A_110 : i32 to index
        %parallel_loop3A_141 = tpu.vector_load %arg14[%parallel_loop3A_140] {strides = array<i32>} : memref<10000xf32, #tpu.memory_space<vmem>>, vector<16xf32>,
        %parallel_loop3A_142 = vector.shape_cast %parallel_loop3A_141 : vector<16xf32> to vector<16xf32>
        %parallel_loop3A_143 = vector.shape_cast %parallel_loop3A_139 : vector<16xf32> to vector<16xf32>
        tpu.vector_store %arg14[%parallel_loop3A_140], %parallel_loop3A_143 {strides = array<i32>} : memref<10000xf32, #tpu.memory_space<vmem>>, vector<16xf32>,
      } {sc.loop_unroll_factor = 16 : i64, sc.parallel_access}
      %add3A_96 = arith.constant 2 : i32
      %add3A_97 = arith.addi %add3A_75, %add3A_96 : i32
      %lt3A_98 = arith.constant 40 : i32
      %lt3A_99 = arith.cmpi slt, %add3A_97, %lt3A_98 : i32
      %convert_element_type3A_100 = arith.extui %lt3A_99 : i1 to i32
      %cond3A_101 = arith.constant 0 : i32
      %cond3A_102 = arith.cmpi ne, %convert_element_type3A_100, %cond3A_101 : i32
      scf.if %cond3A_102 {
        %add3A_110 = arith.constant 2 : i32
        %add3A_111 = arith.addi %add3A_75, %add3A_110 : i32
        %mul3A_112 = arith.constant 320000 : i32
        %mul3A_113 = arith.muli %add3A_111, %mul3A_112 : i32
        %add3A_114 = arith.addi %mul3A_2, %mul3A_113 : i32
        %dma_start3A_115 = tpu.memref_slice %arg2[%add3A_114] : memref<12800000xf32, #tpu.memory_space<hbm>> -> memref<10000xf32, #tpu.memory_space<hbm>>
        %dma_start3A_116 = tpu.memref_slice %arg2[%add3A_114] : memref<12800000xf32, #tpu.memory_space<hbm>> -> memref<10000xf32, #tpu.memory_space<hbm>>
        tpu.enqueue_dma source(%dma_start3A_116 : memref<10000xf32, #tpu.memory_space<hbm>>) target(%arg8 : memref<10000xf32, #tpu.memory_space<vmem>>) target_semaphore(%arg18 : memref<!tpu.dma_semaphore, #tpu.memory_space<semaphore_mem>>)
        %dma_start3A_117 = tpu.memref_slice %arg3[%add3A_114] : memref<12800000xf32, #tpu.memory_space<hbm>> -> memref<10000xf32, #tpu.memory_space<hbm>>
        %dma_start3A_118 = tpu.memref_slice %arg3[%add3A_114] : memref<12800000xf32, #tpu.memory_space<hbm>> -> memref<10000xf32, #tpu.memory_space<hbm>>
        tpu.enqueue_dma source(%dma_start3A_118 : memref<10000xf32, #tpu.memory_space<hbm>>) target(%arg10 : memref<10000xf32, #tpu.memory_space<vmem>>) target_semaphore(%arg18 : memref<!tpu.dma_semaphore, #tpu.memory_space<semaphore_mem>>)
        %dma_start3A_119 = tpu.memref_slice %arg4[%add3A_114] : memref<12800000xf32, #tpu.memory_space<hbm>> -> memref<10000xf32, #tpu.memory_space<hbm>>
        %dma_start3A_120 = tpu.memref_slice %arg4[%add3A_114] : memref<12800000xf32, #tpu.memory_space<hbm>> -> memref<10000xf32, #tpu.memory_space<hbm>>
        tpu.enqueue_dma source(%dma_start3A_120 : memref<10000xf32, #tpu.memory_space<hbm>>) target(%arg12 : memref<10000xf32, #tpu.memory_space<vmem>>) target_semaphore(%arg18 : memref<!tpu.dma_semaphore, #tpu.memory_space<semaphore_mem>>)
      } else {
      }
      %mul3A_103 = arith.constant 320000 : i32
      %mul3A_104 = arith.muli %add3A_75, %mul3A_103 : i32
      %add3A_105 = arith.addi %mul3A_2, %mul3A_104 : i32
      %dma_start3A_106 = tpu.memref_slice %arg5[%add3A_105] : memref<12800000xf32, #tpu.memory_space<hbm>> -> memref<10000xf32, #tpu.memory_space<hbm>>
      %dma_start3A_107 = tpu.memref_slice %arg5[%add3A_105] : memref<12800000xf32, #tpu.memory_space<hbm>> -> memref<10000xf32, #tpu.memory_space<hbm>>
      tpu.enqueue_dma source(%arg14 : memref<10000xf32, #tpu.memory_space<vmem>>) target(%dma_start3A_107 : memref<10000xf32, #tpu.memory_space<hbm>>) target_semaphore(%arg20 : memref<!tpu.dma_semaphore, #tpu.memory_space<semaphore_mem>>)
      %dma_start3A_108 = tpu.memref_slice %arg6[%add3A_105] : memref<12800000xf32, #tpu.memory_space<hbm>> -> memref<10000xf32, #tpu.memory_space<hbm>>
      %dma_start3A_109 = tpu.memref_slice %arg6[%add3A_105] : memref<12800000xf32, #tpu.memory_space<hbm>> -> memref<10000xf32, #tpu.memory_space<hbm>>
      tpu.enqueue_dma source(%arg16 : memref<10000xf32, #tpu.memory_space<vmem>>) target(%dma_start3A_109 : memref<10000xf32, #tpu.memory_space<hbm>>) target_semaphore(%arg20 : memref<!tpu.dma_semaphore, #tpu.memory_space<semaphore_mem>>)
    }
    %scan3A_22 = arith.constant 20 : i32
    %dma_wait3A = arith.constant 0 : i32
    %dma_wait3A_23 = tpu.memref_slice %arg5[%dma_wait3A] : memref<12800000xf32, #tpu.memory_space<hbm>> -> memref<10000xf32, #tpu.memory_space<hbm>>
    %dma_wait3A_24 = arith.constant 0 : i32
    %dma_wait3A_25 = tpu.memref_slice %arg5[%dma_wait3A_24] : memref<12800000xf32, #tpu.memory_space<hbm>> -> memref<10000xf32, #tpu.memory_space<hbm>>
    tpu.wait_dma2 semaphore(%arg19 : memref<!tpu.dma_semaphore, #tpu.memory_space<semaphore_mem>>) src(%arg13 : memref<10000xf32, #tpu.memory_space<vmem>>) dst(%dma_wait3A_25 : memref<10000xf32, #tpu.memory_space<hbm>>)
    %dma_wait3A_26 = arith.constant 0 : i32
    %dma_wait3A_27 = tpu.memref_slice %arg6[%dma_wait3A_26] : memref<12800000xf32, #tpu.memory_space<hbm>> -> memref<10000xf32, #tpu.memory_space<hbm>>
    %dma_wait3A_28 = arith.constant 0 : i32
    %dma_wait3A_29 = tpu.memref_slice %arg6[%dma_wait3A_28] : memref<12800000xf32, #tpu.memory_space<hbm>> -> memref<10000xf32, #tpu.memory_space<hbm>>
    tpu.wait_dma2 semaphore(%arg19 : memref<!tpu.dma_semaphore, #tpu.memory_space<semaphore_mem>>) src(%arg15 : memref<10000xf32, #tpu.memory_space<vmem>>) dst(%dma_wait3A_29 : memref<10000xf32, #tpu.memory_space<hbm>>)
    %dma_wait3A_30 = arith.constant 0 : i32
    %dma_wait3A_31 = tpu.memref_slice %arg5[%dma_wait3A_30] : memref<12800000xf32, #tpu.memory_space<hbm>> -> memref<10000xf32, #tpu.memory_space<hbm>>
    %dma_wait3A_32 = arith.constant 0 : i32
    %dma_wait3A_33 = tpu.memref_slice %arg5[%dma_wait3A_32] : memref<12800000xf32, #tpu.memory_space<hbm>> -> memref<10000xf32, #tpu.memory_space<hbm>>
    tpu.wait_dma2 semaphore(%arg20 : memref<!tpu.dma_semaphore, #tpu.memory_space<semaphore_mem>>) src(%arg14 : memref<10000xf32, #tpu.memory_space<vmem>>) dst(%dma_wait3A_33 : memref<10000xf32, #tpu.memory_space<hbm>>)
    %dma_wait3A_34 = arith.constant 0 : i32
    %dma_wait3A_35 = tpu.memref_slice %arg6[%dma_wait3A_34] : memref<12800000xf32, #tpu.memory_space<hbm>> -> memref<10000xf32, #tpu.memory_space<hbm>>
    %dma_wait3A_36 = arith.constant 0 : i32
    %dma_wait3A_37 = tpu.memref_slice %arg6[%dma_wait3A_36] : memref<12800000xf32, #tpu.memory_space<hbm>> -> memref<10000xf32, #tpu.memory_space<hbm>>
    tpu.wait_dma2 semaphore(%arg20 : memref<!tpu.dma_semaphore, #tpu.memory_space<semaphore_mem>>) src(%arg16 : memref<10000xf32, #tpu.memory_space<vmem>>) dst(%dma_wait3A_37 : memref<10000xf32, #tpu.memory_space<hbm>>)
    return
  }
}

</mosaic_0001>

<sc_bundles>
// kernel: kernel.3.cloned.1.call-start
scs
__scs_entry_jumppad:
0x0: {  	(pc) =	sbr.rel $0x88, $3  }
0x1: {  	(tag) =	ssettag $0x0;
	lr =	simm.s32 $0x1  }
0x2: {  	[smem:$0x3F9E] =	sst lr;
	_ =	strace $0xD0000000  }
0x3: {  	_ = 	snop  }
0x4: {  	_ = 	snop  }
0x5: {  	_ = 	snop  }
0x6: {  	_ = 	snop  }
0x7: {  	_ = 	snop  }
__scs_overlays_trampoline_lowered:
0x8: {  	[smem:$0x3FAD] =	sst s0  }
0x9: {  	[smem:$0x3FAE] =	sst s1  }
0xa: {  	[smem:$0x3FAF] =	sst s2  }
0xb: {  	[smem:$0x3FB0] =	sst s3  }
0xc: {  	[smem:$0x3FB1] =	sst s4  }
0xd: {  	[smem:$0x3FB2] =	sst s5  }
0xe: {  	[smem:$0x3FB3] =	sst s6  }
0xf: {  	[smem:$0x3FB4] =	sst s7  }
0x10: {  	[smem:$0x3FB5] =	sst s8  }
0x11: {  	[smem:$0x3FB6] =	sst s9;
	s0 =	simm.s32 @!p0 $0x0  }
0x12: {  	s1 =	sld [smem:$0x3F9C];
	s0 =	simm.s32 @p0 $0x1  }
0x13: {  	[smem:$0x3FB7] =	sst s0;
	s0 =	simm.s32 @!p1 $0x0  }
0x14: {  	s2 =	sld [smem:$0x3F9B];
	s0 =	simm.s32 @p1 $0x1  }
0x15: {  	[smem:$0x3FB8] =	sst s0;
	s0 =	simm.s32 @!p2 $0x0  }
0x16: {  	s3 =	sld [smem:$0x3FDB];
	s0 =	simm.s32 @p2 $0x1  }
0x17: {  	s4 =	simm.s32 $0x1BF5;
	[smem:$0x3FBA] =	sst s0  }
0x18: {  	s0 =	sld [smem:$0x3F9D];
	_ =	swait.ge [sflag:s4], $0x0  }
0x19: {  	s7 =	sld [smem:$0x3F9E]  }
0x1a: {  	s8 =	sadd.s32 $0xFFFFE003, lr  }
0x1b: {  	s9 =	sadd.s32 $0xFFFFFEF7, lr;
	s5 =	simm.s32 $0xFFFFFFFF;
	p2 =	slt.u32 s8, $0xFFFFF086  }
0x1c: {  	p1 =	slt.u32 s9, $0xF7A;
	s5 =	simm.s32 @!p2 $0x0  }
0x1d: {  	s5 =	simm.s32 @p1 $0x1;
	p0 =	seq.s32 s7, s2  }
0x1e: {  	s7 =	smul.u32 @!p0 $0xF7A, s2;
	p2 =	seq.s32 @!p0 s5, $0x0  }
0x1f: {  	s9 =	smul.u32 $0xF7A, s1;
	s8 =	simm.s32 @!p0 $0x1BF5;
	p2 =	por !p2, p0  }
0x20: {  	[sflag:s8] =	ssyncset.s32 @!p0 $0xFFFFF086;
	s6 =	sadd.s32 @!p0 s3, s7;
	s7 =	simm.s32 @!p0 $0x108  }
0x21: {  	s3 =	sadd.s32 s3, s9;
	s6 =	sadd.s32 @!p0 $0x88, s6;
	s7 =	simm.s32 @p2 $0x1082  }
0x22: {  	[simem:s7], [sflag:s8] =	dma.local @!p0 [hbm:s6], $0xF7A  }
0x23: {  	s9 =	sor.u32 $0xD0000000, s2;
	s6 =	simm.s32 $0x108;
	_ =	swait.ge @!p0 [sflag:s8], $0x0  }
0x24: {  	s3 =	sadd.s32 $0x88, s3;
	s6 =	simm.s32 @!p1 $0x1082;
	[sflag:s4] =	ssyncset.s32 $0xFFFFF086  }
0x25: {  	[simem:s6], [sflag:s4] =	dma.local [hbm:s3], $0xF7A  }
0x26: {  	[smem:$0x3F9E] =	sst s1;
	(tag) =	ssettag s2;
	_ =	strace s9  }
0x27: {  	s1 =	sld [smem:$0x3FAE]  }
0x28: {  	s2 =	sld [smem:$0x3FAF]  }
0x29: {  	s4 =	sld [smem:$0x3FB1]  }
0x2a: {  	p0 =	seq.s32 s5, $0x0;
	s5 =	sld [smem:$0x3FB2]  }
0x2b: {  	s6 =	sld [smem:$0x3FB3]  }
0x2c: {  	s7 =	sld [smem:$0x3FB4]  }
0x2d: {  	s3 =	simm.s32 $0x108;
	s8 =	sld [smem:$0x3FB5]  }
0x2e: {  	s3 =	simm.s32 @!p0 $0x1082;
	s9 =	sld [smem:$0x3FB6]  }
0x2f: {  	lr =	sadd.s32 s0, s3;
	s0 =	sld [smem:$0x3FAD]  }
0x30: {  	s3 =	sld [smem:$0x3FB0]  }
0x31: {  	[smem:$0x3FB9] =	sst s10  }
0x32: {  	s10 =	sld [smem:$0x3FB7];
	_ =	sdelay $0x3  }
0x33: {  	p0 =	seq.s32 s10, $0x1;
	s10 =	sld [smem:$0x3FB9];
	_ =	sdelay $0x3  }
0x34: {  	[smem:$0x3FB9] =	sst s10  }
0x35: {  	s10 =	sld [smem:$0x3FB8];
	_ =	sdelay $0x3  }
0x36: {  	p1 =	seq.s32 s10, $0x1;
	s10 =	sld [smem:$0x3FB9];
	_ =	sdelay $0x3  }
0x37: {  	[smem:$0x3FB9] =	sst s10  }
0x38: {  	s10 =	sld [smem:$0x3FBA]  }
0x39: {  	_ = 	snop;
	(pc) =	sbr.ind lr, $3  }
0x3a: {  	_ = 	snop  }
0x3b: {  	_ = 	snop  }
0x3c: {  	p2 =	seq.s32 s10, $0x1;
	s10 =	sld [smem:$0x3FB9]  }
0x3d: {  	_ =	shalt  }
0x3e: {  	_ =	shalt  }
0x3f: {  	_ =	shalt  }
0x40: {  	_ =	shalt  }
0x41: {  	_ =	shalt  }
0x42: {  	_ =	shalt  }
0x43: {  	_ =	shalt  }
0x44: {  	_ =	shalt  }
0x45: {  	_ =	shalt  }
0x46: {  	_ =	shalt  }
0x47: {  	_ =	shalt  }
0x48: {  	_ =	shalt  }
0x49: {  	_ =	shalt  }
0x4a: {  	_ =	shalt  }
0x4b: {  	_ =	shalt  }
0x4c: {  	_ =	shalt  }
0x4d: {  	_ =	shalt  }
0x4e: {  	_ =	shalt  }
0x4f: {  	_ =	shalt  }
0x50: {  	_ =	shalt  }
0x51: {  	_ =	shalt  }
0x52: {  	_ =	shalt  }
0x53: {  	_ =	shalt  }
0x54: {  	_ =	shalt  }
0x55: {  	_ =	shalt  }
0x56: {  	_ =	shalt  }
0x57: {  	_ =	shalt  }
0x58: {  	_ =	shalt  }
0x59: {  	_ =	shalt  }
0x5a: {  	_ =	shalt  }
0x5b: {  	_ =	shalt  }
0x5c: {  	_ =	shalt  }
0x5d: {  	_ =	shalt  }
0x5e: {  	_ =	shalt  }
0x5f: {  	_ =	shalt  }
0x60: {  	_ =	shalt  }
0x61: {  	_ =	shalt  }
0x62: {  	_ =	shalt  }
0x63: {  	_ =	shalt  }
0x64: {  	_ =	shalt  }
0x65: {  	_ =	shalt  }
0x66: {  	_ =	shalt  }
0x67: {  	_ =	shalt  }
0x68: {  	_ =	shalt  }
0x69: {  	_ =	shalt  }
0x6a: {  	_ =	shalt  }
0x6b: {  	_ =	shalt  }
0x6c: {  	_ =	shalt  }
0x6d: {  	_ =	shalt  }
0x6e: {  	_ =	shalt  }
0x6f: {  	_ =	shalt  }
0x70: {  	_ =	shalt  }
0x71: {  	_ =	shalt  }
0x72: {  	_ =	shalt  }
0x73: {  	_ =	shalt  }
0x74: {  	_ =	shalt  }
0x75: {  	_ =	shalt  }
0x76: {  	_ =	shalt  }
0x77: {  	_ =	shalt  }
0x78: {  	_ =	shalt  }
0x79: {  	_ =	shalt  }
0x7a: {  	_ =	shalt  }
0x7b: {  	_ =	shalt  }
0x7c: {  	_ =	shalt  }
0x7d: {  	_ =	shalt  }
0x7e: {  	_ =	shalt  }
0x7f: {  	_ =	shalt  }
0x80: {  	_ =	shalt  }
0x81: {  	_ =	shalt  }
0x82: {  	_ =	shalt  }
0x83: {  	_ =	shalt  }
0x84: {  	_ =	shalt  }
0x85: {  	_ =	shalt  }
0x86: {  	_ =	shalt  }
0x87: {  	_ =	shalt  }
.Lfunc_end0:
.L_simem_size_0:
called_computation_lowered:
.L_overlay_start_0:
0x88: {  	s2 =	sld [smem:$0x3FD9]  }
0x89: {  	s3 =	sld [smem:$0x3FFE];
	_ =	sdelay $0x1  }
0x8a: {  	s1 =	srdreg.scid  }
0x8b: {  	s0 =	sand.u32 $0x1, s1  }
0x8c: {  	s15 =	sshll.u32 s0, $0xA;
	s2 =	sadd.s32 s3, s2  }
0x8d: {  	s2 =	sadd.s32 s2, s15  }
0x8e: {  	[smem:$0x3FC5] =	sst s2  }
0x8f: {  	_ = 	snop  }
0x90: {  	s2 =	sld [smem:$0x3FD0]  }
0x91: {  	s16 =	sld [smem:$0x3FC9]  }
0x92: {  	s4 =	sld [smem:$0x3FC8]  }
0x93: {  	s6 =	simm.s32 $0xA;
	s7 =	simm.s32 $0x10;
	s5 =	sld [smem:$0x3FC7]  }
0x94: {  	[smem:s7], [sflag:s6] =	dma.local [hbm:s2], $0x1  }
0x95: {  	_ =	swait.eq [sflag:s6], $0x1  }
0x96: {  	[sflag:s6] =	ssyncset.done $0x0  }
0x97: {  	s17 =	sld [smem:$0x10];
	[sflag:s6] =	ssyncadd.s32 $0xFFFFFFFF  }
0x98: {  	s18 =	sld [smem:$0x11];
	(tm) =	ssettm $0x1  }
0x99: {  	s19 =	sld [smem:$0x3FFB];
	_ =	sdelay $0x3  }
0x9a: {  	_ =	strace s19  }
0x9b: {  	s7 =	sld [smem:$0x3FFC];
	_ =	sdelay $0x3  }
0x9c: {  	_ =	strace s7  }
0x9d: {  	s7 =	sld [smem:$0x3FFD];
	_ =	sdelay $0x3  }
0x9e: {  	_ =	strace s7  }
0x9f: {  	_ =	strace $0x8FFFFFFF  }
0xa0: {  	s20 =	sld [smem:$0x3FDB];
	_ =	sdelay $0x1  }
0xa1: {  	s8 =	simm.s32 $_scs_section_size  }
0xa2: {  	s9 =	simm.s32 $_size__tile_overlayer_lowered;
	s10 =	simm.s32 $_tile_overlayer_lowered  }
0xa3: {  	s23 =	simm.s32 $0x1BFF;
	s22 =	sshll.u32 s10, $0x1;
	s7 =	sadd.s32 s8, s20  }
0xa4: {  	s11 =	simm.s32 $0x0;
	s21 =	sshll.u32 s9, $0x1;
	s9 =	sadd.s32 s22, s7  }
0xa5: {  	[timem:s11], [sflag:s23] =	dma.local [hbm:s9], s21  }
0xa6: {  	_ =	swait.ge [sflag:s23], s21  }
0xa7: {  	s8 =	ssub.s32 $0x0, s21;
	[sflag:s23] =	ssyncset.done $0x0  }
0xa8: {  	[sflag:s23] =	ssyncadd.s32 s8;
	_ =	sdelay $0x1  }
0xa9: {  	s24 =	simm.s32 $0x1B8B  }
0xaa: {  	_ =	swait.ge [sflag:s24], $0x1  }
0xab: {  	[sflag:s24] =	ssyncset.done $0x0  }
0xac: {  	s25 =	simm.s32 $0x1B8E;
	[sflag:s24] =	ssyncadd.s32 $0xFFFFFFFF  }
0xad: {  	s26 =	simm.s32 $execute0_lowered;
	[smem:$0x3FD2] =	sst s25  }
0xae: {  	s8 =	sshll.u32 s26, $0x1;
	_ =	strace $0x80000046;
	[dreg:$0x1] =	wrdreg $0xFFFFFFFF  }
0xaf: {  	s28 =	simm.s32 $_size_execute0_lowered;
	s7 =	sadd.s32 s7, s8;
	[dreg:$0x0] =	wrdreg $0x0  }
0xb0: {  	s8 =	sshll.u32 s28, $0x1;
	[dreg:$0x2] =	wrdreg s7  }
0xb1: {  	[dreg:$0x3] =	wrdreg s8  }
0xb2: {  	[dreg:$0x4] =	wrdreg $0xC0  }
0xb3: {  	_ =	task [dreg:s11], $0x5FFFF  }
0xb4: {  	[dreg:$0x1] =	wrdreg $0xFFFFFFFF  }
0xb5: {  	[dreg:$0x0] =	wrdreg $0x60  }
0xb6: {  	[dreg:$0x2] =	wrdreg s16  }
0xb7: {  	[dreg:$0x3] =	wrdreg s4  }
0xb8: {  	[dreg:$0x4] =	wrdreg s5  }
0xb9: {  	[dreg:$0x5] =	wrdreg s17  }
0xba: {  	[dreg:$0x6] =	wrdreg s18  }
0xbb: {  	[dreg:$0x7] =	wrdreg $0x9  }
0xbc: {  	_ =	task.clear_ibuf [dreg:s11], $0x8FFFF;
	_ =	strace $0x90000046  }
0xbd: {  	s29 =	simm.s32 $0x9;
	_ =	strace $0x80000048  }
0xbe: {  	_ =	swait.ge [sflag:s29], $0x1  }
0xbf: {  	[sflag:s29] =	ssyncadd.s32 $0xFFFFFFFF  }
0xc0: {  	_ =	strace $0x90000048  }
0xc1: {  	_ =	sfence  }
0xc2: {  	s30 =	sld [smem:$0x0];
	_ =	sdelay $0x2  }
0xc3: {  	s31 =	sshll.u32 s1, $0xD;
	s1 =	sshrl.u32 s1, $0x2  }
0xc4: {  	s3 =	sand.u32 $0x4000, s31;
	s1 =	sadd.s32 s1, s30  }
0xc5: {  	s0 =	sor.u32 s3, s0;
	s1 =	sshll.u32 s1, $0x11  }
0xc6: {  	s0 =	sor.u32 s1, s0  }
0xc7: {  	s0 =	sadd.s32 $0x8F2B, s0  }
0xc8: {  	[sflag:s0] =	ssyncadd.remote.s32 $0x1  }
0xc9: {  	_ =	sfence.sel $0xFFFF  }
0xca: {  	[dreg:$0x0] =	wrdreg $0xFFFFFFFF;
	(pc) =	sbr.abs _section_cstart, $3  }
0xcb: {  	[dreg:$0x1] =	wrdreg $0xFFFFFFFF  }
0xcc: {  	_ =	task.clear_ibuf [dreg:s11], $0x2FFFF;
	_ =	strace $0x9FFFFFFF  }
0xcd: {  	(tm) =	ssettm $0x7FFFFFFF  }
tec
execute0_lowered:
.L_overlay_start_1:
0x0: {  	(tag) =	ssettag $0x1  }
0x1: {  	s0 =	rddreg [dreg:$0x0]  }
0x2: {  	s2 =	rddreg [dreg:$0x1]  }
0x3: {  	s3 =	rddreg [dreg:$0x2]  }
0x4: {  	s1 =	srdreg.scid;
	s4 =	stileid.u32  }
0x5: {  	s5 =	rddreg [dreg:$0x3];
	s1 =	sand.u32 $0x1, s1;
	s4 =	sshll.u32 s4, $0x1  }
0x6: {  	s6 =	rddreg [dreg:$0x4];
	s7 =	simm.s32 $0x0;
	s4 =	sor.u32 s1, s4  }
0x7: {  	s28 =	simm.s32 $0x2;
	s29 =	simm.s32 $0x11480;
	s8 =	smul.u32 $0x2710, s4  }
0x8: {  	s30 =	simm.s32 $0x16380;
	s31 =	simm.s32 $0x3;
	s1 =	ssub.s32 $0x2, s1  }
0x9: {  	[smem:$0x7FF] =	sst s7;
	s20 =	sshrl.u32 s1, $0x1;
	s21 =	sshrl.u32 s8, $0x3  }
0xa: {  	_ =	strace $0x80000047;
	s1 =	ssub.s32 s1, s20;
	s10 =	sadd.s32 s0, s21  }
0xb: {  	s9 =	sadd.s32 $0x4E200, s8;
	s22 =	sadd.s32 s2, s21;
	[dreg:$0x6] =	wrdreg s10  }
0xc: {  	s23 =	sshrl.u32 s9, $0x3;
	s4 =	sadd.s32 s3, s21;
	[dreg:$0x7] =	wrdreg s22  }
0xd: {  	s16 =	sadd.s32 $0x9C400, s8;
	[dreg:$0x8] =	wrdreg s4;
	s24 =	sadd.s32 s0, s23  }
0xe: {  	s17 =	sadd.s32 $0xEA600, s8;
	s25 =	sadd.s32 s2, s23;
	[dreg:$0x9] =	wrdreg s24  }
0xf: {  	s18 =	smax.u32 s1, $0x1;
	s26 =	sadd.s32 s3, s23;
	[dreg:$0xa] =	wrdreg s25  }
0x10: {  	s1 =	simm.s32 $0x0;
	s4 =	simm.s32 $0x4;
	[dreg:$0xb] =	wrdreg s26  }
0x11: {  	s24 =	simm.s32 $0x1;
	s25 =	simm.s32 $0xED00;
	s26 =	simm.s32 $0x13C00  }
.LBB2_1:
0x12: {  	s10 =	rddreg [dreg:$0x6]  }
0x13: {  	[tilespmem:s7], [sflag:$0x1] =	stream.linear.gather [hbm4b:s10+s7], $0x2710, $0x38;
	[tilespmem:$0x18B00] =	vst v63  }
0x14: {  	s12 =	rddreg [dreg:$0x7];
	s11 =	simm.s32 $0x4F00  }
0x15: {  	[tilespmem:s11], [sflag:$0x1] =	stream.linear.gather [hbm4b:s12+s7], $0x2710, $0x38;
	[tilespmem:$0x18B00] =	vst v63  }
0x16: {  	s13 =	rddreg [dreg:$0x8];
	s14 =	simm.s32 $0x9E00  }
0x17: {  	[tilespmem:s14], [sflag:$0x1] =	stream.linear.gather [hbm4b:s13+s7], $0x2710, $0x38;
	[tilespmem:$0x18B00] =	vst v63  }
0x18: {  	s15 =	rddreg [dreg:$0x9];
	s19 =	simm.s32 $0x2780  }
0x19: {  	[tilespmem:s19], [sflag:$0x2] =	stream.linear.gather [hbm4b:s15+s7], $0x2710, $0x38;
	[tilespmem:$0x18B00] =	vst v63  }
0x1a: {  	s20 =	rddreg [dreg:$0xa];
	s21 =	simm.s32 $0x7680  }
0x1b: {  	[tilespmem:s21], [sflag:$0x2] =	stream.linear.gather [hbm4b:s20+s7], $0x2710, $0x38;
	[tilespmem:$0x18B00] =	vst v63  }
0x1c: {  	s22 =	rddreg [dreg:$0xb];
	s23 =	simm.s32 $0xC580;
	s19 =	simm.s32 $0x0  }
0x1d: {  	[tilespmem:s23], [sflag:$0x2] =	stream.linear.gather [hbm4b:s22+s7], $0x2710, $0x38;
	[tilespmem:$0x18B00] =	vst v63  }
.LBB2_2:
0x1e: {  	_ =	swait.ge [sflag:s24], $0x2710  }
0x1f: {  	[sflag:s24] =	ssyncset.done $0x0  }
0x20: {  	[sflag:s24] =	ssyncadd.s32 $0xFFFFD8F0  }
0x21: {  	_ =	swait.ge [sflag:s24], $0x2710  }
0x22: {  	[sflag:s24] =	ssyncset.done $0x0  }
0x23: {  	[sflag:s24] =	ssyncadd.s32 $0xFFFFD8F0  }
0x24: {  	_ =	swait.ge [sflag:s24], $0x2710  }
0x25: {  	p1 =	seq.s32 s19, $0x0;
	[sflag:s24] =	ssyncset.done $0x0  }
0x26: {  	s10 =	simm.s32 @!p1 $0x3;
	[sflag:s24] =	ssyncadd.s32 $0xFFFFD8F0  }
0x27: {  	_ =	swait.ge @!p1 [sflag:s10], $0x2710  }
0x28: {  	[sflag:s10] =	ssyncset.done @!p1 $0x0  }
0x29: {  	[sflag:s10] =	ssyncadd.s32 @!p1 $0xFFFFD8F0  }
0x2a: {  	_ =	swait.ge @!p1 [sflag:s10], $0x2710  }
0x2b: {  	[sflag:s10] =	ssyncset.done @!p1 $0x0  }
0x2c: {  	s22 =	simm.s32 $0x9E80;
	[sflag:s10] =	ssyncadd.s32 @!p1 $0xFFFFD8F0  }
0x2d: {  	v0 =	vld [tilespmem:s22+$0x70]  }
0x2e: {  	v1 =	vld [tilespmem:s22+$0xFFFFFF90]  }
0x2f: {  	v2 =	vld [tilespmem:s22+$0xFFFFFFA0]  }
0x30: {  	v3 =	vld [tilespmem:s22+$0xFFFFFFB0]  }
0x31: {  	v5 =	vld [tilespmem:s22+$0xFFFFFFD0]  }
0x32: {  	v4 =	vld [tilespmem:s22+$0xFFFFFFC0]  }
0x33: {  	v6 =	vld [tilespmem:s22+$0xFFFFFFE0];
	v0 =	vsub.f32 $0.0e+00, v0  }
0x34: {  	v7 =	vld [tilespmem:s22+$0xFFFFFFF0];
	v1 =	vsub.f32 $0.0e+00, v1  }
0x35: {  	v8 =	vld [tilespmem:s22+$0x0];
	v2 =	vsub.f32 $0.0e+00, v2;
	v0 =	vmul.f32 $1.442695020e+00, v0  }
0x36: {  	v3 =	vsub.f32 $0.0e+00, v3;
	v5 =	vsub.f32 $0.0e+00, v5;
	v1 =	vmul.f32 $1.442695020e+00, v1  }
0x37: {  	(erf) = vpow2.f32 v0;
	v0 =	vmul.f32 $1.442695020e+00, v2;
	v2 =	vsub.f32 $0.0e+00, v4  }
0x38: {  	v3 =	vmul.f32 $1.442695020e+00, v3;
	v5 =	vmul.f32 $1.442695020e+00, v5;
	v4 =	vld [tilespmem:s22+$0x10]  }
0x39: {  	v9 =	vld [tilespmem:s22+$0x20];
	(erf) = vpow2.f32 v1;
	v1 =	vmul.f32 $1.442695020e+00, v2;
	v2 =	vsub.f32 $0.0e+00, v6  }
0x3a: {  	(erf) = vpow2.f32 v0;
	v6 =	vsub.f32 $0.0e+00, v7;
	v7 =	vsub.f32 $0.0e+00, v8  }
0x3b: {  	v0 =	vld [tilespmem:s22+$0x30];
	(erf) = vpow2.f32 v3;
	v2 =	vmul.f32 $1.442695020e+00, v2  }
0x3c: {  	v3 =	vld [tilespmem:s22+$0x40];
	(erf) = vpow2.f32 v1;
	v7 =	vmul.f32 $1.442695020e+00, v7  }
0x3d: {  	v1 =	vmul.f32 $1.442695020e+00, v6;
	v6 =	vld [tilespmem:s22+$0x50];
	v4 =	vsub.f32 $0.0e+00, v4;
	(erf) = vpow2.f32 v5  }
0x3e: {  	v8 =	vsub.f32 $0.0e+00, v9;
	v5 =	vld [tilespmem:s22+$0xFFFFFF80];
	(erf) = vpow2.f32 v2  }
0x3f: {  	v4 =	vmul.f32 $1.442695020e+00, v4;
	(erf) = vpow2.f32 v1  }
0x40: {  	v2 =	vld [tilespmem:s22+$0x60];
	v0 =	vsub.f32 $0.0e+00, v0;
	v1 =	vmul.f32 $1.442695020e+00, v8;
	(erf) = vpow2.f32 v7;
	v7 =	vpop (erf)  }
0x41: {  	v3 =	vsub.f32 $0.0e+00, v3;
	(erf) = vpow2.f32 v4;
	v4 =	vadd.f32 $1.000000000e+00, v7  }
0x42: {  	v7 =	vpop (erf);
	(erf) = vpow2.f32 v1;
	v1 =	vsub.f32 $0.0e+00, v6  }
0x43: {  	v0 =	vmul.f32 $1.442695020e+00, v0;
	v5 =	vsub.f32 $0.0e+00, v5;
	v3 =	vmul.f32 $1.442695020e+00, v3  }
0x44: {  	v6 =	vpop (erf);
	(erf) = vrcp.f32 v4  }
0x45: {  	v2 =	vsub.f32 $0.0e+00, v2;
	v5 =	vmul.f32 $1.442695020e+00, v5;
	v4 =	vpop (erf);
	(erf) = vpow2.f32 v0  }
0x46: {  	v0 =	vmul.f32 $1.442695020e+00, v1;
	v1 =	vpop (erf);
	(erf) = vpow2.f32 v3  }
0x47: {  	v2 =	vmul.f32 $1.442695020e+00, v2;
	v3 =	vpop (erf);
	(erf) = vpow2.f32 v5;
	v5 =	vadd.f32 $1.000000000e+00, v7  }
0x48: {  	v7 =	vpop (erf);
	(erf) = vpow2.f32 v0  }
0x49: {  	v0 =	vadd.f32 $1.000000000e+00, v6;
	v6 =	vpop (erf);
	(erf) = vpow2.f32 v2  }
0x4a: {  	v2 =	vadd.f32 $1.000000000e+00, v4;
	v4 =	vpop (erf);
	(erf) = vrcp.f32 v5  }
0x4b: {  	v5 =	vpop (erf)  }
0x4c: {  	v1 =	vadd.f32 $1.000000000e+00, v1;
	(erf) = vrcp.f32 v0;
	v8 =	vpop (erf)  }
0x4d: {  	(erf) = vrcp.f32 v2;
	v2 =	vadd.f32 $1.000000000e+00, v7;
	v7 =	vpop (erf)  }
0x4e: {  	(erf) = vrcp.f32 v1;
	v1 =	vadd.f32 $1.000000000e+00, v6;
	v6 =	vpop (erf)  }
0x4f: {  	v9 =	vpop (erf)  }
0x50: {  	v0 =	vadd.f32 $1.000000000e+00, v3;
	v3 =	vpop (erf)  }
0x51: {  	s13 =	simm.s32 $0x13C80;
	s23 =	simm.s32 $0x9F80;
	v10 =	vpop (erf)  }
0x52: {  	s12 =	simm.s32 $0x4F80;
	v28 =	vld [tilespmem:s23+$0x70];
	[tilespmem:s13+$0x70] =	vst v7;
	v13 =	vpop (erf)  }
0x53: {  	s11 =	simm.s32 $0x80;
	(erf) = vrcp.f32 v0;
	v14 =	vld [tilespmem:s12+$0x70];
	v15 =	vpop (erf)  }
0x54: {  	v0 =	vadd.f32 $1.000000000e+00, v4;
	(erf) = vrcp.f32 v2;
	v16 =	vld [tilespmem:s11+$0x70];
	[tilespmem:s13+$0xFFFFFF90] =	vst v15  }
0x55: {  	v2 =	vadd.f32 $1.000000000e+00, v5;
	(erf) = vrcp.f32 v1;
	v17 =	vpop (erf);
	v18 =	vld [tilespmem:s12+$0xFFFFFF90]  }
0x56: {  	v1 =	vadd.f32 $1.000000000e+00, v3;
	(erf) = vrcp.f32 v0;
	[tilespmem:s13+$0xFFFFFFA0] =	vst v17;
	v20 =	vld [tilespmem:s11+$0xFFFFFF90]  }
0x57: {  	v8 =	vadd.f32 $1.000000000e+00, v8;
	(erf) = vrcp.f32 v2;
	v22 =	vld [tilespmem:s12+$0xFFFFFFA0]  }
0x58: {  	(erf) = vrcp.f32 v1;
	v19 =	vpop (erf);
	v23 =	vld [tilespmem:s11+$0xFFFFFFA0]  }
0x59: {  	v21 =	vpop (erf);
	[tilespmem:s13+$0xFFFFFFB0] =	vst v19;
	(erf) = vrcp.f32 v8;
	v8 =	vsub.f32 v16, v14;
	v16 =	vld [tilespmem:s23+$0xFFFFFF90]  }
0x5a: {  	v24 =	vld [tilespmem:s12+$0xFFFFFFB0]  }
0x5b: {  	[tilespmem:s13+$0xFFFFFFC0] =	vst v21;
	v25 =	vld [tilespmem:s11+$0xFFFFFFB0]  }
0x5c: {  	v6 =	vadd.f32 $1.000000000e+00, v6;
	v26 =	vld [tilespmem:s12+$0xFFFFFFC0]  }
0x5d: {  	v9 =	vadd.f32 $1.000000000e+00, v9;
	v5 =	vpop (erf);
	v27 =	vld [tilespmem:s11+$0xFFFFFFC0]  }
0x5e: {  	v10 =	vadd.f32 $1.000000000e+00, v10;
	(erf) = vrcp.f32 v6;
	[tilespmem:s13+$0xFFFFFFD0] =	vst v5;
	v7 =	vmul.f32 v7, v8;
	v8 =	vld [tilespmem:s23+$0xFFFFFFB0]  }
0x5f: {  	v4 =	vpop (erf);
	(erf) = vrcp.f32 v9;
	v3 =	vld [tilespmem:s12+$0xFFFFFFD0];
	v6 =	vsub.f32 v20, v18;
	v20 =	vsub.f32 v23, v22  }
0x60: {  	v13 =	vadd.f32 $1.000000000e+00, v13;
	(erf) = vrcp.f32 v10;
	v10 =	vsub.f32 $0.0e+00, v28;
	v23 =	vld [tilespmem:s23+$0xFFFFFFA0]  }
0x61: {  	v6 =	vmul.f32 v15, v6;
	v15 =	vsub.f32 v25, v24;
	v9 =	vmul.f32 v17, v20;
	v17 =	vld [tilespmem:s23+$0xFFFFFFC0]  }
0x62: {  	v14 =	vadd.f32 v7, v14;
	v7 =	vld [tilespmem:s23+$0xFFFFFFD0];
	v16 =	vsub.f32 $0.0e+00, v16;
	v10 =	vmul.f32 $1.442695020e+00, v10  }
0x63: {  	v18 =	vadd.f32 v6, v18;
	v6 =	vmul.f32 v19, v15;
	v20 =	vadd.f32 v9, v22;
	v9 =	vld [tilespmem:s23+$0xFFFFFFE0]  }
0x64: {  	(erf) = vrcp.f32 v13;
	v16 =	vmul.f32 $1.442695020e+00, v16;
	v8 =	vsub.f32 $0.0e+00, v8;
	v22 =	vld [tilespmem:s23+$0x0]  }
0x65: {  	(erf) = vpow2.f32 v10;
	v19 =	vld [tilespmem:s23+$0xFFFFFFF0];
	v13 =	vadd.f32 v6, v24;
	v6 =	vsub.f32 $0.0e+00, v23  }
0x66: {  	v2 =	vpop (erf);
	v28 =	vld [tilespmem:s23+$0xFFFFFF80];
	v15 =	vsub.f32 v27, v26;
	v8 =	vmul.f32 $1.442695020e+00, v8;
	v10 =	vsub.f32 $0.0e+00, v17  }
0x67: {  	v0 =	vpop (erf);
	v7 =	vsub.f32 $0.0e+00, v7;
	(erf) = vpow2.f32 v16;
	v23 =	vld [tilespmem:s23+$0x10];
	v6 =	vmul.f32 $1.442695020e+00, v6  }
0x68: {  	v1 =	vpop (erf);
	v15 =	vmul.f32 v21, v15;
	v17 =	vld [tilespmem:s23+$0x20];
	v21 =	vmul.f32 $1.442695020e+00, v10;
	v9 =	vsub.f32 $0.0e+00, v9  }
0x69: {  	v12 =	vpop (erf);
	v24 =	vld [tilespmem:s23+$0x40];
	(erf) = vpow2.f32 v6;
	v6 =	vmul.f32 $1.442695020e+00, v7;
	v22 =	vsub.f32 $0.0e+00, v22  }
0x6a: {  	[tilespmem:s13+$0xFFFFFFE0] =	vst v4;
	v16 =	vld [tilespmem:s23+$0x30];
	v7 =	vsub.f32 $0.0e+00, v19;
	(erf) = vpow2.f32 v8;
	v10 =	vpop (erf);
	v25 =	vmul.f32 $1.442695020e+00, v9  }
0x6b: {  	v29 =	vld [tilespmem:s11+$0xFFFFFFE0];
	[tilespmem:s13+$0x10] =	vst v1;
	(erf) = vpow2.f32 v21;
	v22 =	vmul.f32 $1.442695020e+00, v22;
	v8 =	vpop (erf)  }
0x6c: {  	v34 =	vld [tilespmem:s12+$0x10];
	v23 =	vsub.f32 $0.0e+00, v23;
	v27 =	vmul.f32 $1.442695020e+00, v7;
	(erf) = vpow2.f32 v6;
	v9 =	vpop (erf)  }
0x6d: {  	v26 =	vadd.f32 v15, v26;
	v19 =	vld [tilespmem:s23+$0x50];
	v17 =	vsub.f32 $0.0e+00, v17;
	(erf) = vpow2.f32 v25;
	v6 =	vpop (erf)  }
0x6e: {  	[tilespmem:s13+$0xFFFFFF80] =	vst v12;
	v24 =	vsub.f32 $0.0e+00, v24;
	v21 =	vld [tilespmem:s23+$0x60];
	v15 =	vmul.f32 $1.442695020e+00, v23;
	(erf) = vpow2.f32 v27;
	v7 =	vpop (erf)  }
0x6f: {  	v11 =	vld [tilespmem:s12+$0xFFFFFF80];
	v16 =	vsub.f32 $0.0e+00, v16;
	v17 =	vmul.f32 $1.442695020e+00, v17;
	(erf) = vpow2.f32 v22;
	v22 =	vpop (erf)  }
0x70: {  	v25 =	vld [tilespmem:s11+$0xFFFFFF80];
	(erf) = vpow2.f32 v15;
	v22 =	vadd.f32 $1.000000000e+00, v22  }
0x71: {  	v28 =	vsub.f32 $0.0e+00, v28;
	v16 =	vmul.f32 $1.442695020e+00, v16;
	v27 =	vld [tilespmem:s12+$0xFFFFFFE0];
	v30 =	vpop (erf);
	(erf) = vpow2.f32 v17  }
0x72: {  	v23 =	vld [tilespmem:s11+$0xFFFFFFD0];
	[tilespmem:s13+$0x40] =	vst v9;
	v17 =	vsub.f32 $0.0e+00, v19;
	v19 =	vmul.f32 $1.442695020e+00, v24;
	v24 =	vpop (erf);
	(erf) = vrcp.f32 v22  }
0x73: {  	v28 =	vmul.f32 $1.442695020e+00, v28;
	v60 =	vld [tilespmem:s12+$0x40];
	v21 =	vsub.f32 $0.0e+00, v21;
	v31 =	vpop (erf);
	(erf) = vpow2.f32 v16  }
0x74: {  	[tilespmem:s13+$0xFFFFFFF0] =	vst v2;
	v61 =	vld [tilespmem:s11+$0x40];
	v30 =	vadd.f32 $1.000000000e+00, v30;
	v17 =	vmul.f32 $1.442695020e+00, v17;
	v32 =	vpop (erf);
	(erf) = vpow2.f32 v19  }
0x75: {  	s20 =	simm.s32 $0xED80;
	[tilespmem:s13+$0x0] =	vst v0;
	v15 =	vld [tilespmem:s12+$0xFFFFFFF0];
	v21 =	vmul.f32 $1.442695020e+00, v21;
	v25 =	vsub.f32 v25, v11;
	v33 =	vpop (erf);
	(erf) = vpow2.f32 v28  }
0x76: {  	[tilespmem:s20+$0x70] =	vst v14;
	v22 =	vld [tilespmem:s11+$0xFFFFFFF0];
	v24 =	vadd.f32 $1.000000000e+00, v24;
	v29 =	vsub.f32 v29, v27;
	v58 =	vpop (erf);
	(erf) = vpow2.f32 v17  }
0x77: {  	[tilespmem:s20+$0xFFFFFF90] =	vst v18;
	v16 =	vld [tilespmem:s12+$0x0];
	v28 =	vadd.f32 $1.000000000e+00, v31;
	v31 =	vadd.f32 $1.000000000e+00, v32;
	v59 =	vpop (erf);
	(erf) = vpow2.f32 v21  }
0x78: {  	[tilespmem:s13+$0x30] =	vst v8;
	v12 =	vmul.f32 v12, v25;
	v19 =	vld [tilespmem:s11+$0x0];
	v14 =	vadd.f32 $1.000000000e+00, v33;
	v35 =	vpop (erf);
	(erf) = vrcp.f32 v30  }
0x79: {  	[tilespmem:s20+$0xFFFFFFA0] =	vst v20;
	v37 =	vld [tilespmem:s12+$0x30];
	v23 =	vsub.f32 v23, v3;
	v4 =	vmul.f32 v4, v29;
	v36 =	vpop (erf);
	(erf) = vrcp.f32 v24  }
0x7a: {  	[tilespmem:s13+$0x50] =	vst v6;
	v29 =	vsub.f32 v61, v60;
	v11 =	vadd.f32 v12, v11;
	v17 =	vld [tilespmem:s11+$0x10];
	v24 =	vpop (erf);
	(erf) = vrcp.f32 v28  }
0x7b: {  	s10 =	simm.s32 $0x13D80;
	[tilespmem:s13+$0x20] =	vst v10;
	v62 =	vld [tilespmem:s12+$0x50];
	v32 =	vadd.f32 $1.000000000e+00, v58;
	v33 =	vadd.f32 $1.000000000e+00, v59;
	(erf) = vrcp.f32 v31;
	v31 =	vpop (erf)  }
0x7c: {  	s21 =	simm.s32 $0x5080;
	v21 =	vld [tilespmem:s12+$0x20];
	v22 =	vsub.f32 v22, v15;
	v18 =	vadd.f32 $1.000000000e+00, v35;
	[tilespmem:s10+$0x70] =	vst v31;
	(erf) = vrcp.f32 v14;
	v14 =	vpop (erf)  }
0x7d: {  	s22 =	simm.s32 $0x180;
	[tilespmem:s20+$0xFFFFFFB0] =	vst v13;
	v5 =	vmul.f32 v5, v23;
	v20 =	vadd.f32 $1.000000000e+00, v36;
	v19 =	vsub.f32 v19, v16;
	v12 =	vld [tilespmem:s21+$0x70];
	v13 =	vpop (erf)  }
0x7e: {  	v2 =	vmul.f32 v2, v22;
	v24 =	vadd.f32 $1.000000000e+00, v24;
	(erf) = vrcp.f32 v32;
	v23 =	vld [tilespmem:s22+$0x70];
	v25 =	vpop (erf)  }
0x7f: {  	v28 =	vld [tilespmem:s11+$0x30];
	v17 =	vsub.f32 v17, v34;
	(erf) = vrcp.f32 v33;
	v25 =	vadd.f32 $1.000000000e+00, v25  }
0x80: {  	[tilespmem:s13+$0x60] =	vst v7;
	v30 =	vld [tilespmem:s11+$0x20];
	v19 =	vmul.f32 v0, v19;
	v15 =	vadd.f32 v2, v15;
	(erf) = vrcp.f32 v18;
	v18 =	vpop (erf)  }
0x81: {  	[tilespmem:s20+$0xFFFFFFC0] =	vst v26;
	v39 =	vld [tilespmem:s12+$0x60];
	v14 =	vadd.f32 $1.000000000e+00, v14;
	v63 =	vadd.f32 $1.000000000e+00, v13;
	(erf) = vrcp.f32 v20;
	v13 =	vpop (erf)  }
0x82: {  	[tilespmem:s20+$0xFFFFFF80] =	vst v11;
	v22 =	vld [tilespmem:s11+$0x60];
	v1 =	vmul.f32 v1, v17;
	(erf) = vrcp.f32 v25;
	v38 =	vpop (erf);
	v40 =	vadd.f32 $1.000000000e+00, v13  }
0x83: {  	v20 =	vld [tilespmem:s11+$0x50];
	v13 =	vadd.f32 v5, v3;
	[tilespmem:s10+$0xFFFFFF90] =	vst v38;
	(erf) = vrcp.f32 v24;
	v3 =	vsub.f32 v23, v12;
	v25 =	vpop (erf)  }
0x84: {  	v11 =	vsub.f32 v28, v37;
	v18 =	vadd.f32 $1.000000000e+00, v18;
	v26 =	vld [tilespmem:s21+$0xFFFFFF90];
	(erf) = vrcp.f32 v14;
	[tilespmem:s10+$0xFFFFFFA0] =	vst v25;
	v24 =	vpop (erf)  }
0x85: {  	v30 =	vsub.f32 v30, v21;
	v17 =	vld [tilespmem:s22+$0xFFFFFF90];
	(erf) = vrcp.f32 v63;
	v0 =	vmul.f32 v31, v3;
	[tilespmem:s10+$0xFFFFFFB0] =	vst v24;
	v23 =	vpop (erf)  }
0x86: {  	v8 =	vmul.f32 v8, v11;
	v14 =	vadd.f32 v4, v27;
	v27 =	vld [tilespmem:s21+$0xFFFFFFA0];
	(erf) = vrcp.f32 v18;
	[tilespmem:s10+$0xFFFFFFC0] =	vst v23;
	v5 =	vpop (erf)  }
0x87: {  	v4 =	vmul.f32 v10, v30;
	v30 =	vld [tilespmem:s22+$0xFFFFFFA0];
	v11 =	vadd.f32 v0, v12;
	(erf) = vrcp.f32 v40;
	[tilespmem:s10+$0xFFFFFFD0] =	vst v5;
	v3 =	vpop (erf)  }
0x88: {  	s23 =	simm.s32 $0xEE80;
	v18 =	vsub.f32 v20, v62;
	v20 =	vadd.f32 v19, v16;
	v28 =	vld [tilespmem:s21+$0xFFFFFFB0];
	[tilespmem:s10+$0xFFFFFFE0] =	vst v3;
	v2 =	vpop (erf)  }
0x89: {  	v16 =	vadd.f32 v1, v34;
	v12 =	vmul.f32 v9, v29;
	v9 =	vsub.f32 v22, v39;
	v10 =	vld [tilespmem:s22+$0xFFFFFFB0];
	[tilespmem:s23+$0x70] =	vst v11;
	v0 =	vpop (erf)  }
0x8a: {  	v21 =	vadd.f32 v4, v21;
	v29 =	vld [tilespmem:s21+$0xFFFFFFC0];
	v19 =	vsub.f32 v17, v26;
	[tilespmem:s10+$0xFFFFFFF0] =	vst v2;
	v1 =	vpop (erf)  }
0x8b: {  	v22 =	vadd.f32 v8, v37;
	v18 =	vmul.f32 v6, v18;
	v31 =	vmul.f32 v7, v9;
	v9 =	vld [tilespmem:s22+$0xFFFFFFC0];
	[tilespmem:s10+$0x0] =	vst v0;
	v11 =	vpop (erf)  }
0x8c: {  	s14 =	simm.s32 $0xA080;
	v17 =	vadd.f32 v12, v60;
	v7 =	vld [tilespmem:s21+$0xFFFFFFD0];
	v30 =	vsub.f32 v30, v27;
	v8 =	vmul.f32 v38, v19;
	[tilespmem:s10+$0xFFFFFF80] =	vst v11;
	v6 =	vpop (erf)  }
0x8d: {  	s13 =	simm.s32 $0x100;
	s12 =	simm.s32 $0x5080;
	s11 =	simm.s32 $0x180;
	v19 =	vadd.f32 v18, v62;
	v18 =	vadd.f32 v31, v39;
	[tilespmem:s10+$0x10] =	vst v1;
	v12 =	vld [tilespmem:s21+$0xFFFFFF80];
	v4 =	vpop (erf)  }
.LBB2_3:
0x8e: {  	v31 =	vld [tilespmem:s14+$0x70];
	v26 =	vadd.f32 v8, v26;
	v25 =	vmul.f32 v25, v30;
	v30 =	vsub.f32 v10, v28;
	[tilespmem:s10+$0x20] =	vst v6;
	v10 =	vpop (erf)  }
0x8f: {  	s13 =	sadd.s32 $0x100, s13;
	v32 =	vld [tilespmem:s14+$0xFFFFFF90];
	[tilespmem:s10+$0x30] =	vst v4;
	v8 =	vpop (erf)  }
0x90: {  	p0 =	slt.u32 s13, $0x2600;
	v33 =	vld [tilespmem:s14+$0xFFFFFFA0];
	v25 =	vadd.f32 v25, v27;
	v24 =	vmul.f32 v24, v30;
	v27 =	vsub.f32 v9, v29;
	[tilespmem:s10+$0x40] =	vst v10;
	v9 =	vpop (erf)  }
0x91: {  	v30 =	vld [tilespmem:s14+$0xFFFFFFB0];
	[tilespmem:s10+$0x50] =	vst v8  }
0x92: {  	v34 =	vld [tilespmem:s14+$0xFFFFFFC0];
	v24 =	vadd.f32 v24, v28;
	v23 =	vmul.f32 v23, v27;
	[tilespmem:s10+$0x60] =	vst v9  }
0x93: {  	v27 =	vld [tilespmem:s14+$0xFFFFFFD0];
	v28 =	vsub.f32 $0.0e+00, v31;
	[tilespmem:s23+$0xFFFFFF90] =	vst v26  }
0x94: {  	v26 =	vsub.f32 $0.0e+00, v32;
	v31 =	vld [tilespmem:s14+$0xFFFFFFE0];
	[tilespmem:s23+$0xFFFFFFA0] =	vst v25;
	v23 =	vadd.f32 v23, v29  }
0x95: {  	v25 =	vsub.f32 $0.0e+00, v33;
	v29 =	vld [tilespmem:s14+$0xFFFFFFF0];
	v28 =	vmul.f32 $1.442695020e+00, v28;
	[tilespmem:s23+$0xFFFFFFB0] =	vst v24  }
0x96: {  	v24 =	vmul.f32 $1.442695020e+00, v26;
	v26 =	vsub.f32 $0.0e+00, v30;
	v30 =	vld [tilespmem:s14+$0x0];
	[tilespmem:s23+$0xFFFFFFC0] =	vst v23  }
0x97: {  	v23 =	vmul.f32 $1.442695020e+00, v25;
	v25 =	vsub.f32 $0.0e+00, v34;
	v32 =	vld [tilespmem:s14+$0x10];
	(erf) = vpow2.f32 v28;
	[tilespmem:s20+$0xFFFFFFD0] =	vst v13  }
0x98: {  	v13 =	vmul.f32 $1.442695020e+00, v26;
	v26 =	vsub.f32 $0.0e+00, v27;
	v27 =	vld [tilespmem:s14+$0x20];
	(erf) = vpow2.f32 v24;
	[tilespmem:s20+$0xFFFFFFE0] =	vst v14  }
0x99: {  	v14 =	vmul.f32 $1.442695020e+00, v25;
	v24 =	vsub.f32 $0.0e+00, v31;
	v25 =	vld [tilespmem:s14+$0x30];
	(erf) = vpow2.f32 v23;
	[tilespmem:s20+$0xFFFFFFF0] =	vst v15  }
0x9a: {  	v15 =	vmul.f32 $1.442695020e+00, v26;
	v23 =	vsub.f32 $0.0e+00, v29;
	v26 =	vld [tilespmem:s14+$0x40];
	(erf) = vpow2.f32 v13;
	[tilespmem:s20+$0x0] =	vst v20  }
0x9b: {  	v13 =	vmul.f32 $1.442695020e+00, v24;
	v20 =	vsub.f32 $0.0e+00, v30;
	v24 =	vld [tilespmem:s14+$0x50];
	(erf) = vpow2.f32 v14;
	[tilespmem:s20+$0x10] =	vst v16  }
0x9c: {  	v14 =	vmul.f32 $1.442695020e+00, v23;
	v16 =	vsub.f32 $0.0e+00, v32;
	v23 =	vld [tilespmem:s14+$0x60];
	(erf) = vpow2.f32 v15;
	[tilespmem:s20+$0x20] =	vst v21  }
0x9d: {  	v15 =	vld [tilespmem:s14+$0xFFFFFF80];
	v20 =	vmul.f32 $1.442695020e+00, v20;
	v21 =	vsub.f32 $0.0e+00, v27;
	(erf) = vpow2.f32 v13;
	[tilespmem:s20+$0x30] =	vst v22  }
0x9e: {  	v27 =	vmul.f32 $1.442695020e+00, v16;
	v16 =	vsub.f32 $0.0e+00, v25;
	(erf) = vpow2.f32 v14;
	v22 =	vld [tilespmem:s22+$0xFFFFFF80];
	[tilespmem:s20+$0x40] =	vst v17  }
0x9f: {  	v17 =	vmul.f32 $1.442695020e+00, v21;
	v21 =	vsub.f32 $0.0e+00, v26;
	(erf) = vpow2.f32 v20;
	v20 =	vld [tilespmem:s22+$0xFFFFFFD0];
	[tilespmem:s20+$0x50] =	vst v19  }
0xa0: {  	v16 =	vmul.f32 $1.442695020e+00, v16;
	v19 =	vsub.f32 $0.0e+00, v24;
	(erf) = vpow2.f32 v27;
	v13 =	vpop (erf);
	v14 =	vld [tilespmem:s21+$0xFFFFFFE0];
	[tilespmem:s20+$0x60] =	vst v18;
	s20 =	smov.u32 s23  }
0xa1: {  	v18 =	vmul.f32 $1.442695020e+00, v21;
	v21 =	vsub.f32 $0.0e+00, v23;
	v13 =	vadd.f32 $1.000000000e+00, v13;
	v23 =	vpop (erf);
	v24 =	vld [tilespmem:s22+$0xFFFFFFE0]  }
0xa2: {  	v25 =	vsub.f32 $0.0e+00, v15;
	v19 =	vmul.f32 $1.442695020e+00, v19;
	v26 =	vpop (erf);
	(erf) = vpow2.f32 v17;
	v15 =	vld [tilespmem:s21+$0xFFFFFFF0]  }
0xa3: {  	v17 =	vadd.f32 $1.000000000e+00, v23;
	v21 =	vmul.f32 $1.442695020e+00, v21;
	v23 =	vpop (erf);
	(erf) = vrcp.f32 v13;
	v13 =	vld [tilespmem:s22+$0xFFFFFFF0]  }
0xa4: {  	v26 =	vadd.f32 $1.000000000e+00, v26;
	v29 =	vmul.f32 $1.442695020e+00, v25;
	v27 =	vpop (erf);
	(erf) = vpow2.f32 v16;
	v16 =	vld [tilespmem:s21+$0x0]  }
0xa5: {  	v23 =	vadd.f32 $1.000000000e+00, v23;
	v27 =	vadd.f32 $1.000000000e+00, v27;
	v28 =	vpop (erf);
	(erf) = vpow2.f32 v18;
	v18 =	vld [tilespmem:s22+$0x0]  }
0xa6: {  	v22 =	vsub.f32 v22, v12;
	v28 =	vadd.f32 $1.000000000e+00, v28;
	(erf) = vpow2.f32 v29;
	v25 =	vpop (erf);
	v29 =	vld [tilespmem:s21+$0x10]  }
0xa7: {  	v25 =	vadd.f32 $1.000000000e+00, v25;
	v30 =	vpop (erf);
	(erf) = vpow2.f32 v19;
	v19 =	vsub.f32 v20, v7;
	v20 =	vld [tilespmem:s22+$0x10]  }
0xa8: {  	v30 =	vadd.f32 $1.000000000e+00, v30;
	v31 =	vpop (erf);
	(erf) = vpow2.f32 v21;
	v21 =	vsub.f32 v24, v14;
	v32 =	vld [tilespmem:s21+$0x20]  }
0xa9: {  	v13 =	vsub.f32 v13, v15;
	v24 =	vadd.f32 $1.000000000e+00, v31;
	(erf) = vrcp.f32 v17;
	v17 =	vpop (erf);
	v31 =	vld [tilespmem:s22+$0x20]  }
0xaa: {  	v17 =	vadd.f32 $1.000000000e+00, v17;
	(erf) = vrcp.f32 v26;
	v18 =	vsub.f32 v18, v16;
	v33 =	vld [tilespmem:s21+$0x30]  }
0xab: {  	v11 =	vmul.f32 v11, v22;
	(erf) = vrcp.f32 v23;
	v23 =	vpop (erf);
	v22 =	vld [tilespmem:s22+$0x30]  }
0xac: {  	s10 =	sadd.s32 $0x100, s10;
	v23 =	vadd.f32 $1.000000000e+00, v23;
	(erf) = vrcp.f32 v27;
	v34 =	vpop (erf);
	v20 =	vsub.f32 v20, v29;
	v35 =	vld [tilespmem:s21+$0x40]  }
0xad: {  	v11 =	vadd.f32 v11, v12;
	v5 =	vmul.f32 v5, v19;
	s21 =	sadd.s32 $0x100, s21;
	[tilespmem:s10+$0x70] =	vst v34;
	(erf) = vrcp.f32 v28;
	v26 =	vpop (erf);
	v12 =	vld [tilespmem:s22+$0x40]  }
0xae: {  	s22 =	sadd.s32 $0x100, s22;
	v19 =	vadd.f32 $1.000000000e+00, v26;
	v36 =	vld [tilespmem:s21+$0x70];
	(erf) = vrcp.f32 v25;
	v25 =	vpop (erf);
	v27 =	vsub.f32 v31, v32  }
0xaf: {  	v3 =	vmul.f32 v3, v21;
	v28 =	vadd.f32 $1.000000000e+00, v25;
	v31 =	vld [tilespmem:s22+$0x70];
	v25 =	vpop (erf);
	(erf) = vrcp.f32 v30;
	[tilespmem:s23+$0xFFFFFF80] =	vst v11  }
0xb0: {  	v11 =	vadd.f32 $1.000000000e+00, v25;
	(erf) = vrcp.f32 v24;
	v21 =	vpop (erf);
	v22 =	vsub.f32 v22, v33;
	v37 =	vld [tilespmem:s12+$0x50]  }
0xb1: {  	v2 =	vmul.f32 v2, v13;
	v21 =	vadd.f32 $1.000000000e+00, v21;
	(erf) = vrcp.f32 v17;
	v17 =	vpop (erf);
	v30 =	vld [tilespmem:s11+$0x50]  }
0xb2: {  	v17 =	vadd.f32 $1.000000000e+00, v17;
	(erf) = vrcp.f32 v11;
	v38 =	vpop (erf);
	v11 =	vsub.f32 v12, v35;
	v39 =	vld [tilespmem:s12+$0x60];
	s12 =	smov.u32 s21  }
0xb3: {  	v13 =	vadd.f32 v5, v7;
	v7 =	vmul.f32 v0, v18;
	[tilespmem:s10+$0xFFFFFF90] =	vst v38;
	v25 =	vpop (erf);
	(erf) = vrcp.f32 v23;
	v0 =	vld [tilespmem:s11+$0x60];
	s11 =	smov.u32 s22  }
0xb4: {  	v1 =	vmul.f32 v1, v20;
	v26 =	vld [tilespmem:s21+$0xFFFFFF90];
	[tilespmem:s10+$0xFFFFFFA0] =	vst v25;
	v31 =	vsub.f32 v31, v36;
	v24 =	vpop (erf);
	(erf) = vrcp.f32 v19  }
0xb5: {  	v14 =	vadd.f32 v3, v14;
	v6 =	vmul.f32 v6, v27;
	v12 =	vld [tilespmem:s22+$0xFFFFFF90];
	[tilespmem:s10+$0xFFFFFFB0] =	vst v24;
	v23 =	vpop (erf);
	(erf) = vrcp.f32 v28  }
0xb6: {  	v27 =	vld [tilespmem:s21+$0xFFFFFFA0];
	[tilespmem:s10+$0xFFFFFFC0] =	vst v23;
	v18 =	vmul.f32 v34, v31;
	v5 =	vpop (erf);
	(erf) = vrcp.f32 v21;
	v19 =	vsub.f32 v30, v37  }
0xb7: {  	v15 =	vadd.f32 v2, v15;
	v4 =	vmul.f32 v4, v22;
	v30 =	vld [tilespmem:s22+$0xFFFFFFA0];
	[tilespmem:s10+$0xFFFFFFD0] =	vst v5;
	v3 =	vpop (erf);
	(erf) = vrcp.f32 v17  }
0xb8: {  	v28 =	vld [tilespmem:s21+$0xFFFFFFB0];
	[tilespmem:s10+$0xFFFFFFE0] =	vst v3;
	v17 =	vadd.f32 v18, v36;
	v2 =	vpop (erf);
	v18 =	vmul.f32 v10, v11;
	v22 =	vsub.f32 v0, v39  }
.Ltmp0:
0xb9: {  	v20 =	vadd.f32 v7, v16;
	s23 =	sadd.s32 $0x100, s23;
	v16 =	vadd.f32 v1, v29;
	v19 =	vmul.f32 v8, v19;
	v10 =	vld [tilespmem:s22+$0xFFFFFFB0];
	[tilespmem:s10+$0xFFFFFFF0] =	vst v2;
	v0 =	vpop (erf);
	(pc) =	sbr.rel @p0 .LBB2_3-.Ltmp0, $4  }
0xba: {  	v21 =	vadd.f32 v6, v32;
	v7 =	vsub.f32 v12, v26;
	v29 =	vld [tilespmem:s21+$0xFFFFFFC0];
	[tilespmem:s23+$0x70] =	vst v17;
	v1 =	vpop (erf);
	v31 =	vmul.f32 v9, v22  }
0xbb: {  	v22 =	vadd.f32 v4, v33;
	v17 =	vadd.f32 v18, v35;
	v9 =	vld [tilespmem:s22+$0xFFFFFFC0];
	[tilespmem:s10+$0x0] =	vst v0;
	v11 =	vpop (erf)  }
0xbc: {  	v19 =	vadd.f32 v19, v37;
	[tilespmem:s10+$0xFFFFFF80] =	vst v11;
	v8 =	vmul.f32 v38, v7;
	v30 =	vsub.f32 v30, v27;
	v7 =	vld [tilespmem:s21+$0xFFFFFFD0];
	v6 =	vpop (erf)  }
0xbd: {  	s14 =	sadd.s32 $0x100, s14;
	v18 =	vadd.f32 v31, v39;
	v12 =	vld [tilespmem:s21+$0xFFFFFF80];
	[tilespmem:s10+$0x10] =	vst v1;
	v4 =	vpop (erf)  }
0xbe: {  	v31 =	vld [tilespmem:s22+$0xFFFFFF80]  }
0xbf: {  	[tilespmem:s10+$0x20] =	vst v6;
	v32 =	vld [tilespmem:s22+$0xFFFFFFD0]  }
0xc0: {  	[tilespmem:s10+$0x30] =	vst v4;
	v34 =	vld [tilespmem:s21+$0xFFFFFFE0]  }
0xc1: {  	v35 =	vld [tilespmem:s22+$0xFFFFFFE0];
	[tilespmem:s20+$0xFFFFFFD0] =	vst v13  }
0xc2: {  	v8 =	vadd.f32 v8, v26;
	v26 =	vld [tilespmem:s21+$0xFFFFFFF0];
	[tilespmem:s20+$0xFFFFFFE0] =	vst v14  }
0xc3: {  	[tilespmem:s20+$0xFFFFFFF0] =	vst v15;
	v13 =	vld [tilespmem:s21+$0x20]  }
0xc4: {  	[tilespmem:s20+$0x0] =	vst v20;
	v14 =	vld [tilespmem:s22+$0x20]  }
0xc5: {  	v33 =	vpop (erf);
	[tilespmem:s20+$0x10] =	vst v16;
	v15 =	vld [tilespmem:s21+$0x30]  }
0xc6: {  	v10 =	vsub.f32 v10, v28;
	v25 =	vmul.f32 v25, v30;
	[tilespmem:s10+$0x40] =	vst v33;
	v20 =	vld [tilespmem:s22+$0x30]  }
0xc7: {  	v9 =	vsub.f32 v9, v29;
	[tilespmem:s23+$0xFFFFFF90] =	vst v8;
	v8 =	vld [tilespmem:s21+$0x0]  }
0xc8: {  	[tilespmem:s20+$0x20] =	vst v21;
	v10 =	vmul.f32 v24, v10;
	v25 =	vadd.f32 v25, v27;
	v27 =	vld [tilespmem:s21+$0x40]  }
0xc9: {  	[tilespmem:s20+$0x30] =	vst v22;
	v9 =	vmul.f32 v23, v9;
	v23 =	vld [tilespmem:s22+$0xFFFFFFF0]  }
0xca: {  	v30 =	vpop (erf);
	v10 =	vadd.f32 v10, v28;
	[tilespmem:s23+$0xFFFFFFA0] =	vst v25;
	v25 =	vld [tilespmem:s22+$0x0]  }
0xcb: {  	[tilespmem:s10+$0x50] =	vst v30;
	v28 =	vld [tilespmem:s22+$0x40];
	v9 =	vadd.f32 v9, v29  }
0xcc: {  	v16 =	vsub.f32 v31, v12;
	[tilespmem:s23+$0xFFFFFFB0] =	vst v10;
	v10 =	vld [tilespmem:s21+$0x10]  }
0xcd: {  	v21 =	vsub.f32 v32, v7;
	[tilespmem:s23+$0xFFFFFFC0] =	vst v9;
	v9 =	vld [tilespmem:s22+$0x10]  }
0xce: {  	[tilespmem:s20+$0x40] =	vst v17;
	v24 =	vpop (erf);
	v22 =	vsub.f32 v35, v34;
	v11 =	vmul.f32 v11, v16;
	v16 =	vld [tilespmem:s12+$0x50]  }
0xcf: {  	[tilespmem:s10+$0x60] =	vst v24;
	v14 =	vsub.f32 v14, v13;
	v5 =	vmul.f32 v5, v21;
	v21 =	vld [tilespmem:s11+$0x50]  }
0xd0: {  	[tilespmem:s20+$0x50] =	vst v19;
	v3 =	vmul.f32 v3, v22;
	v17 =	vsub.f32 v23, v26;
	v11 =	vadd.f32 v11, v12;
	v12 =	vld [tilespmem:s12+$0x60]  }
0xd1: {  	[tilespmem:s20+$0x60] =	vst v18;
	v6 =	vmul.f32 v6, v14;
	v19 =	vsub.f32 v25, v8;
	v5 =	vadd.f32 v5, v7;
	v7 =	vld [tilespmem:s11+$0x60]  }
0xd2: {  	v3 =	vadd.f32 v3, v34;
	v2 =	vmul.f32 v2, v17;
	[tilespmem:s23+$0xFFFFFF80] =	vst v11;
	v9 =	vsub.f32 v9, v10  }
0xd3: {  	v6 =	vadd.f32 v6, v13;
	v0 =	vmul.f32 v0, v19;
	v11 =	vsub.f32 v20, v15;
	[tilespmem:s23+$0xFFFFFFD0] =	vst v5  }
0xd4: {  	v5 =	vsub.f32 v28, v27;
	[tilespmem:s23+$0xFFFFFFE0] =	vst v3;
	v2 =	vadd.f32 v2, v26;
	v1 =	vmul.f32 v1, v9  }
0xd5: {  	v3 =	vsub.f32 v21, v16;
	[tilespmem:s23+$0x20] =	vst v6;
	v0 =	vadd.f32 v0, v8;
	v4 =	vmul.f32 v4, v11  }
0xd6: {  	[tilespmem:s23+$0xFFFFFFF0] =	vst v2;
	v2 =	vmul.f32 v33, v5;
	v5 =	vsub.f32 v7, v12;
	v1 =	vadd.f32 v1, v10  }
0xd7: {  	[tilespmem:s23+$0x0] =	vst v0;
	v0 =	vmul.f32 v30, v3;
	v3 =	vadd.f32 v4, v15  }
0xd8: {  	v2 =	vadd.f32 v2, v27;
	[tilespmem:s23+$0x10] =	vst v1;
	v1 =	vmul.f32 v24, v5  }
0xd9: {  	v0 =	vadd.f32 v0, v16;
	[tilespmem:s23+$0x30] =	vst v3  }
0xda: {  	[tilespmem:s23+$0x40] =	vst v2;
	v1 =	vadd.f32 v1, v12  }
0xdb: {  	[tilespmem:s23+$0x50] =	vst v0  }
0xdc: {  	[tilespmem:s23+$0x60] =	vst v1  }
0xdd: {  	v0 =	vld [tilespmem:$0xC500];
	_ =	sdelay $0x4  }
0xde: {  	v0 =	vsub.f32 $0.0e+00, v0;
	_ =	sdelay $0x1  }
0xdf: {  	v0 =	vmul.f32 $1.442695020e+00, v0;
	_ =	sdelay $0x1  }
0xe0: {  	(erf) = vpow2.f32 v0;
	_ =	sdelay $0x8  }
0xe1: {  	v0 =	vpop (erf)  }
0xe2: {  	v0 =	vadd.f32 $1.000000000e+00, v0;
	_ =	sdelay $0x1  }
0xe3: {  	(erf) = vrcp.f32 v0;
	_ =	sdelay $0x1  }
0xe4: {  	v1 =	vld [tilespmem:$0x2700]  }
0xe5: {  	v0 =	vld [tilespmem:$0x7600];
	_ =	sdelay $0x4  }
0xe6: {  	v1 =	vsub.f32 v1, v0  }
0xe7: {  	p0 =	seq.s32 s19, $0x13;
	v2 =	vpop (erf)  }
0xe8: {  	s20 =	smul.u32 @!p0 $0x9C400, s19;
	v1 =	vmul.f32 v2, v1;
	_ =	sdelay $0x1  }
0xe9: {  	s10 =	sadd.s32 @!p0 s20, s16;
	v0 =	vadd.f32 v1, v0  }
0xea: {  	s10 =	sshrl.u32 @!p0 s10, $0x3;
	[tilespmem:$0x16300] =	vst v2  }
0xeb: {  	s11 =	sadd.s32 @!p0 s0, s10;
	s12 =	simm.s32 @!p0 $0x0;
	[tilespmem:$0x11400] =	vst v0  }
0xec: {  	[tilespmem:s12], [sflag:$0x1] =	stream.linear.gather @!p0 [hbm4b:s11+s12], $0x2710, $0x38;
	[tilespmem:$0x18B00] =	vst v63  }
0xed: {  	s13 =	simm.s32 @!p0 $0x4F00;
	s20 =	simm.s32 @p0 $0xB98C00;
	s11 =	sadd.s32 @!p0 s2, s10  }
0xee: {  	[tilespmem:s13], [sflag:$0x1] =	stream.linear.gather @!p0 [hbm4b:s11+s12], $0x2710, $0x38;
	[tilespmem:$0x18B00] =	vst v63  }
0xef: {  	s22 =	sadd.s32 s8, s20;
	s10 =	sadd.s32 @!p0 s3, s10;
	s11 =	simm.s32 @!p0 $0x9E00  }
0xf0: {  	[tilespmem:s11], [sflag:$0x1] =	stream.linear.gather @!p0 [hbm4b:s10+s12], $0x2710, $0x38;
	[tilespmem:$0x18B00] =	vst v63  }
0xf1: {  	s10 =	sshrl.u32 s22, $0x3  }
0xf2: {  	s23 =	sadd.s32 s5, s10  }
0xf3: {  	[hbm4b:s23+s7] =	stream.linear.scatter [tilespmem:s25], [sflag:$0x3], $0x2710, $0x38;
	[tilespmem:$0x18B00] =	vst v63  }
0xf4: {  	s10 =	sadd.s32 s6, s10  }
0xf5: {  	[hbm4b:s10+s7] =	stream.linear.scatter [tilespmem:s26], [sflag:$0x3], $0x2710, $0x38;
	[tilespmem:$0x18B00] =	vst v63  }
0xf6: {  	_ =	swait.ge [sflag:s28], $0x2710  }
0xf7: {  	[sflag:s28] =	ssyncset.done $0x0  }
0xf8: {  	[sflag:s28] =	ssyncadd.s32 $0xFFFFD8F0  }
0xf9: {  	_ =	swait.ge [sflag:s28], $0x2710  }
0xfa: {  	[sflag:s28] =	ssyncset.done $0x0  }
0xfb: {  	[sflag:s28] =	ssyncadd.s32 $0xFFFFD8F0  }
0xfc: {  	_ =	swait.ge [sflag:s28], $0x2710  }
0xfd: {  	[sflag:s28] =	ssyncset.done $0x0  }
0xfe: {  	s10 =	simm.s32 @!p1 $0x4;
	[sflag:s28] =	ssyncadd.s32 $0xFFFFD8F0  }
0xff: {  	_ =	swait.ge @!p1 [sflag:s10], $0x2710  }
0x100: {  	[sflag:s10] =	ssyncset.done @!p1 $0x0  }
0x101: {  	[sflag:s10] =	ssyncadd.s32 @!p1 $0xFFFFD8F0  }
0x102: {  	_ =	swait.ge @!p1 [sflag:s10], $0x2710  }
0x103: {  	[sflag:s10] =	ssyncset.done @!p1 $0x0  }
0x104: {  	s11 =	simm.s32 $0xC600;
	[sflag:s10] =	ssyncadd.s32 @!p1 $0xFFFFD8F0  }
0x105: {  	v0 =	vld [tilespmem:s11+$0x70]  }
0x106: {  	v1 =	vld [tilespmem:s11+$0xFFFFFF90]  }
0x107: {  	v2 =	vld [tilespmem:s11+$0xFFFFFFA0]  }
0x108: {  	v3 =	vld [tilespmem:s11+$0xFFFFFFB0]  }
0x109: {  	v5 =	vld [tilespmem:s11+$0xFFFFFFD0]  }
0x10a: {  	v4 =	vld [tilespmem:s11+$0xFFFFFFC0]  }
0x10b: {  	v6 =	vld [tilespmem:s11+$0xFFFFFFE0];
	v0 =	vsub.f32 $0.0e+00, v0  }
0x10c: {  	v7 =	vld [tilespmem:s11+$0xFFFFFFF0];
	v1 =	vsub.f32 $0.0e+00, v1  }
0x10d: {  	v8 =	vld [tilespmem:s11+$0x0];
	v2 =	vsub.f32 $0.0e+00, v2;
	v0 =	vmul.f32 $1.442695020e+00, v0  }
0x10e: {  	v3 =	vsub.f32 $0.0e+00, v3;
	v5 =	vsub.f32 $0.0e+00, v5;
	v1 =	vmul.f32 $1.442695020e+00, v1  }
0x10f: {  	(erf) = vpow2.f32 v0;
	v0 =	vmul.f32 $1.442695020e+00, v2;
	v2 =	vsub.f32 $0.0e+00, v4  }
0x110: {  	v3 =	vmul.f32 $1.442695020e+00, v3;
	v5 =	vmul.f32 $1.442695020e+00, v5;
	v4 =	vld [tilespmem:s11+$0x10]  }
0x111: {  	v9 =	vld [tilespmem:s11+$0x20];
	(erf) = vpow2.f32 v1;
	v1 =	vmul.f32 $1.442695020e+00, v2;
	v2 =	vsub.f32 $0.0e+00, v6  }
0x112: {  	(erf) = vpow2.f32 v0;
	v6 =	vsub.f32 $0.0e+00, v7;
	v7 =	vsub.f32 $0.0e+00, v8  }
0x113: {  	v0 =	vld [tilespmem:s11+$0x30];
	(erf) = vpow2.f32 v3;
	v2 =	vmul.f32 $1.442695020e+00, v2  }
0x114: {  	v3 =	vld [tilespmem:s11+$0x40];
	(erf) = vpow2.f32 v1;
	v7 =	vmul.f32 $1.442695020e+00, v7  }
0x115: {  	v1 =	vmul.f32 $1.442695020e+00, v6;
	v6 =	vld [tilespmem:s11+$0x50];
	v4 =	vsub.f32 $0.0e+00, v4;
	(erf) = vpow2.f32 v5  }
0x116: {  	v8 =	vsub.f32 $0.0e+00, v9;
	v5 =	vld [tilespmem:s11+$0xFFFFFF80];
	(erf) = vpow2.f32 v2  }
0x117: {  	v4 =	vmul.f32 $1.442695020e+00, v4;
	(erf) = vpow2.f32 v1  }
0x118: {  	v2 =	vld [tilespmem:s11+$0x60];
	v0 =	vsub.f32 $0.0e+00, v0;
	v1 =	vmul.f32 $1.442695020e+00, v8;
	(erf) = vpow2.f32 v7;
	v7 =	vpop (erf)  }
0x119: {  	v3 =	vsub.f32 $0.0e+00, v3;
	(erf) = vpow2.f32 v4;
	v4 =	vadd.f32 $1.000000000e+00, v7  }
0x11a: {  	(erf) = vpow2.f32 v1;
	v1 =	vsub.f32 $0.0e+00, v6  }
0x11b: {  	v0 =	vmul.f32 $1.442695020e+00, v0;
	v7 =	vpop (erf);
	v5 =	vsub.f32 $0.0e+00, v5;
	v3 =	vmul.f32 $1.442695020e+00, v3  }
0x11c: {  	v6 =	vpop (erf);
	(erf) = vrcp.f32 v4  }
0x11d: {  	v2 =	vsub.f32 $0.0e+00, v2;
	v5 =	vmul.f32 $1.442695020e+00, v5;
	v4 =	vpop (erf);
	(erf) = vpow2.f32 v0  }
0x11e: {  	v0 =	vmul.f32 $1.442695020e+00, v1;
	v1 =	vpop (erf);
	(erf) = vpow2.f32 v3  }
0x11f: {  	v2 =	vmul.f32 $1.442695020e+00, v2;
	v3 =	vpop (erf);
	(erf) = vpow2.f32 v5;
	v5 =	vadd.f32 $1.000000000e+00, v7  }
0x120: {  	v7 =	vpop (erf);
	(erf) = vpow2.f32 v0  }
0x121: {  	v0 =	vadd.f32 $1.000000000e+00, v6;
	v6 =	vpop (erf);
	(erf) = vpow2.f32 v2  }
0x122: {  	v2 =	vadd.f32 $1.000000000e+00, v4;
	v4 =	vpop (erf);
	(erf) = vrcp.f32 v5  }
0x123: {  	v5 =	vpop (erf)  }
0x124: {  	v1 =	vadd.f32 $1.000000000e+00, v1;
	(erf) = vrcp.f32 v0;
	v8 =	vpop (erf)  }
0x125: {  	(erf) = vrcp.f32 v2;
	v2 =	vadd.f32 $1.000000000e+00, v7;
	v7 =	vpop (erf)  }
0x126: {  	(erf) = vrcp.f32 v1;
	v1 =	vadd.f32 $1.000000000e+00, v6;
	v6 =	vpop (erf)  }
0x127: {  	v9 =	vpop (erf)  }
0x128: {  	v0 =	vadd.f32 $1.000000000e+00, v3;
	v3 =	vpop (erf)  }
0x129: {  	s12 =	simm.s32 $0x16400;
	s23 =	simm.s32 $0xC700;
	v10 =	vpop (erf)  }
0x12a: {  	s14 =	simm.s32 $0x7700;
	v28 =	vld [tilespmem:s23+$0x70];
	[tilespmem:s12+$0x70] =	vst v7;
	v13 =	vpop (erf)  }
0x12b: {  	s15 =	simm.s32 $0x2800;
	(erf) = vrcp.f32 v0;
	v14 =	vld [tilespmem:s14+$0x70];
	v15 =	vpop (erf)  }
0x12c: {  	v0 =	vadd.f32 $1.000000000e+00, v4;
	(erf) = vrcp.f32 v2;
	v16 =	vld [tilespmem:s15+$0x70];
	[tilespmem:s12+$0xFFFFFF90] =	vst v15  }
0x12d: {  	v2 =	vadd.f32 $1.000000000e+00, v5;
	(erf) = vrcp.f32 v1;
	v17 =	vpop (erf);
	v18 =	vld [tilespmem:s14+$0xFFFFFF90]  }
0x12e: {  	v1 =	vadd.f32 $1.000000000e+00, v3;
	(erf) = vrcp.f32 v0;
	[tilespmem:s12+$0xFFFFFFA0] =	vst v17;
	v20 =	vld [tilespmem:s15+$0xFFFFFF90]  }
0x12f: {  	v8 =	vadd.f32 $1.000000000e+00, v8;
	(erf) = vrcp.f32 v2;
	v22 =	vld [tilespmem:s14+$0xFFFFFFA0]  }
0x130: {  	(erf) = vrcp.f32 v1;
	v19 =	vpop (erf);
	v23 =	vld [tilespmem:s15+$0xFFFFFFA0]  }
0x131: {  	v21 =	vpop (erf);
	[tilespmem:s12+$0xFFFFFFB0] =	vst v19;
	(erf) = vrcp.f32 v8;
	v8 =	vsub.f32 v16, v14;
	v16 =	vld [tilespmem:s23+$0xFFFFFF90]  }
0x132: {  	v24 =	vld [tilespmem:s14+$0xFFFFFFB0]  }
0x133: {  	[tilespmem:s12+$0xFFFFFFC0] =	vst v21;
	v25 =	vld [tilespmem:s15+$0xFFFFFFB0]  }
0x134: {  	v6 =	vadd.f32 $1.000000000e+00, v6;
	v26 =	vld [tilespmem:s14+$0xFFFFFFC0]  }
0x135: {  	v9 =	vadd.f32 $1.000000000e+00, v9;
	v5 =	vpop (erf);
	v27 =	vld [tilespmem:s15+$0xFFFFFFC0]  }
0x136: {  	v10 =	vadd.f32 $1.000000000e+00, v10;
	(erf) = vrcp.f32 v6;
	[tilespmem:s12+$0xFFFFFFD0] =	vst v5;
	v7 =	vmul.f32 v7, v8;
	v8 =	vld [tilespmem:s23+$0xFFFFFFB0]  }
0x137: {  	v4 =	vpop (erf);
	(erf) = vrcp.f32 v9;
	v3 =	vld [tilespmem:s14+$0xFFFFFFD0];
	v6 =	vsub.f32 v20, v18;
	v20 =	vsub.f32 v23, v22  }
0x138: {  	v13 =	vadd.f32 $1.000000000e+00, v13;
	(erf) = vrcp.f32 v10;
	v10 =	vsub.f32 $0.0e+00, v28;
	v23 =	vld [tilespmem:s23+$0xFFFFFFA0]  }
0x139: {  	v6 =	vmul.f32 v15, v6;
	v15 =	vsub.f32 v25, v24;
	v9 =	vmul.f32 v17, v20;
	v17 =	vld [tilespmem:s23+$0xFFFFFFC0]  }
0x13a: {  	v14 =	vadd.f32 v7, v14;
	v7 =	vld [tilespmem:s23+$0xFFFFFFD0];
	v16 =	vsub.f32 $0.0e+00, v16;
	v10 =	vmul.f32 $1.442695020e+00, v10  }
0x13b: {  	v18 =	vadd.f32 v6, v18;
	v6 =	vmul.f32 v19, v15;
	v20 =	vadd.f32 v9, v22;
	v9 =	vld [tilespmem:s23+$0xFFFFFFE0]  }
0x13c: {  	(erf) = vrcp.f32 v13;
	v16 =	vmul.f32 $1.442695020e+00, v16;
	v8 =	vsub.f32 $0.0e+00, v8;
	v22 =	vld [tilespmem:s23+$0x0]  }
0x13d: {  	(erf) = vpow2.f32 v10;
	v19 =	vld [tilespmem:s23+$0xFFFFFFF0];
	v13 =	vadd.f32 v6, v24;
	v6 =	vsub.f32 $0.0e+00, v23  }
0x13e: {  	v2 =	vpop (erf);
	v28 =	vld [tilespmem:s23+$0xFFFFFF80];
	v15 =	vsub.f32 v27, v26;
	v8 =	vmul.f32 $1.442695020e+00, v8;
	v10 =	vsub.f32 $0.0e+00, v17  }
0x13f: {  	v0 =	vpop (erf);
	v7 =	vsub.f32 $0.0e+00, v7;
	(erf) = vpow2.f32 v16;
	v23 =	vld [tilespmem:s23+$0x10];
	v6 =	vmul.f32 $1.442695020e+00, v6  }
0x140: {  	v1 =	vpop (erf);
	v15 =	vmul.f32 v21, v15;
	v17 =	vld [tilespmem:s23+$0x20];
	v21 =	vmul.f32 $1.442695020e+00, v10;
	v9 =	vsub.f32 $0.0e+00, v9  }
0x141: {  	v12 =	vpop (erf);
	v24 =	vld [tilespmem:s23+$0x40];
	(erf) = vpow2.f32 v6;
	v6 =	vmul.f32 $1.442695020e+00, v7;
	v22 =	vsub.f32 $0.0e+00, v22  }
0x142: {  	[tilespmem:s12+$0xFFFFFFE0] =	vst v4;
	v16 =	vld [tilespmem:s23+$0x30];
	v7 =	vsub.f32 $0.0e+00, v19;
	(erf) = vpow2.f32 v8;
	v10 =	vpop (erf);
	v25 =	vmul.f32 $1.442695020e+00, v9  }
0x143: {  	v29 =	vld [tilespmem:s15+$0xFFFFFFE0];
	[tilespmem:s12+$0x10] =	vst v1;
	(erf) = vpow2.f32 v21;
	v22 =	vmul.f32 $1.442695020e+00, v22;
	v8 =	vpop (erf)  }
0x144: {  	v56 =	vld [tilespmem:s14+$0x10];
	v23 =	vsub.f32 $0.0e+00, v23;
	v27 =	vmul.f32 $1.442695020e+00, v7;
	(erf) = vpow2.f32 v6;
	v9 =	vpop (erf)  }
0x145: {  	v26 =	vadd.f32 v15, v26;
	v19 =	vld [tilespmem:s23+$0x50];
	v17 =	vsub.f32 $0.0e+00, v17;
	(erf) = vpow2.f32 v25;
	v6 =	vpop (erf)  }
0x146: {  	[tilespmem:s12+$0xFFFFFF80] =	vst v12;
	v24 =	vsub.f32 $0.0e+00, v24;
	v21 =	vld [tilespmem:s23+$0x60];
	v15 =	vmul.f32 $1.442695020e+00, v23;
	(erf) = vpow2.f32 v27;
	v7 =	vpop (erf)  }
0x147: {  	v11 =	vld [tilespmem:s14+$0xFFFFFF80];
	v16 =	vsub.f32 $0.0e+00, v16;
	v17 =	vmul.f32 $1.442695020e+00, v17;
	(erf) = vpow2.f32 v22;
	v22 =	vpop (erf)  }
0x148: {  	v25 =	vld [tilespmem:s15+$0xFFFFFF80];
	(erf) = vpow2.f32 v15;
	v22 =	vadd.f32 $1.000000000e+00, v22  }
0x149: {  	v28 =	vsub.f32 $0.0e+00, v28;
	v16 =	vmul.f32 $1.442695020e+00, v16;
	v27 =	vld [tilespmem:s14+$0xFFFFFFE0];
	v30 =	vpop (erf);
	(erf) = vpow2.f32 v17  }
0x14a: {  	v23 =	vld [tilespmem:s15+$0xFFFFFFD0];
	[tilespmem:s12+$0x40] =	vst v9;
	v17 =	vsub.f32 $0.0e+00, v19;
	v19 =	vmul.f32 $1.442695020e+00, v24;
	v24 =	vpop (erf);
	(erf) = vrcp.f32 v22  }
0x14b: {  	v28 =	vmul.f32 $1.442695020e+00, v28;
	v60 =	vld [tilespmem:s14+$0x40];
	v21 =	vsub.f32 $0.0e+00, v21;
	v31 =	vpop (erf);
	(erf) = vpow2.f32 v16  }
0x14c: {  	[tilespmem:s12+$0xFFFFFFF0] =	vst v2;
	v61 =	vld [tilespmem:s15+$0x40];
	v30 =	vadd.f32 $1.000000000e+00, v30;
	v17 =	vmul.f32 $1.442695020e+00, v17;
	v54 =	vpop (erf);
	(erf) = vpow2.f32 v19  }
0x14d: {  	s21 =	simm.s32 $0x11500;
	[tilespmem:s12+$0x0] =	vst v0;
	v15 =	vld [tilespmem:s14+$0xFFFFFFF0];
	v21 =	vmul.f32 $1.442695020e+00, v21;
	v25 =	vsub.f32 v25, v11;
	v55 =	vpop (erf);
	(erf) = vpow2.f32 v28  }
0x14e: {  	[tilespmem:s21+$0x70] =	vst v14;
	v22 =	vld [tilespmem:s15+$0xFFFFFFF0];
	v24 =	vadd.f32 $1.000000000e+00, v24;
	v29 =	vsub.f32 v29, v27;
	v57 =	vpop (erf);
	(erf) = vpow2.f32 v17  }
0x14f: {  	[tilespmem:s21+$0xFFFFFF90] =	vst v18;
	v16 =	vld [tilespmem:s14+$0x0];
	v28 =	vadd.f32 $1.000000000e+00, v31;
	v31 =	vadd.f32 $1.000000000e+00, v54;
	v58 =	vpop (erf);
	(erf) = vpow2.f32 v21  }
0x150: {  	[tilespmem:s12+$0x30] =	vst v8;
	v12 =	vmul.f32 v12, v25;
	v19 =	vld [tilespmem:s15+$0x0];
	v14 =	vadd.f32 $1.000000000e+00, v55;
	v59 =	vpop (erf);
	(erf) = vrcp.f32 v30  }
0x151: {  	[tilespmem:s21+$0xFFFFFFA0] =	vst v20;
	v37 =	vld [tilespmem:s14+$0x30];
	v23 =	vsub.f32 v23, v3;
	v4 =	vmul.f32 v4, v29;
	v36 =	vpop (erf);
	(erf) = vrcp.f32 v24  }
0x152: {  	[tilespmem:s12+$0x50] =	vst v6;
	v29 =	vsub.f32 v61, v60;
	v11 =	vadd.f32 v12, v11;
	v17 =	vld [tilespmem:s15+$0x10];
	v24 =	vpop (erf);
	(erf) = vrcp.f32 v28  }
0x153: {  	s22 =	simm.s32 $0x16500;
	[tilespmem:s12+$0x20] =	vst v10;
	v62 =	vld [tilespmem:s14+$0x50];
	v32 =	vadd.f32 $1.000000000e+00, v57;
	v33 =	vadd.f32 $1.000000000e+00, v58;
	(erf) = vrcp.f32 v31;
	v31 =	vpop (erf)  }
0x154: {  	s23 =	simm.s32 $0x7800;
	v21 =	vld [tilespmem:s14+$0x20];
	v22 =	vsub.f32 v22, v15;
	v18 =	vadd.f32 $1.000000000e+00, v59;
	[tilespmem:s22+$0x70] =	vst v31;
	(erf) = vrcp.f32 v14;
	v14 =	vpop (erf)  }
0x155: {  	s10 =	simm.s32 $0x2900;
	[tilespmem:s21+$0xFFFFFFB0] =	vst v13;
	v5 =	vmul.f32 v5, v23;
	v20 =	vadd.f32 $1.000000000e+00, v36;
	v19 =	vsub.f32 v19, v16;
	v12 =	vld [tilespmem:s23+$0x70];
	v13 =	vpop (erf)  }
0x156: {  	v2 =	vmul.f32 v2, v22;
	v24 =	vadd.f32 $1.000000000e+00, v24;
	(erf) = vrcp.f32 v32;
	v23 =	vld [tilespmem:s10+$0x70];
	v25 =	vpop (erf)  }
0x157: {  	v28 =	vld [tilespmem:s15+$0x30];
	v17 =	vsub.f32 v17, v56;
	(erf) = vrcp.f32 v33;
	v25 =	vadd.f32 $1.000000000e+00, v25  }
0x158: {  	[tilespmem:s12+$0x60] =	vst v7;
	v30 =	vld [tilespmem:s15+$0x20];
	v19 =	vmul.f32 v0, v19;
	v15 =	vadd.f32 v2, v15;
	(erf) = vrcp.f32 v18;
	v18 =	vpop (erf)  }
0x159: {  	[tilespmem:s21+$0xFFFFFFC0] =	vst v26;
	v39 =	vld [tilespmem:s14+$0x60];
	v14 =	vadd.f32 $1.000000000e+00, v14;
	v63 =	vadd.f32 $1.000000000e+00, v13;
	(erf) = vrcp.f32 v20;
	v13 =	vpop (erf)  }
0x15a: {  	[tilespmem:s21+$0xFFFFFF80] =	vst v11;
	v22 =	vld [tilespmem:s15+$0x60];
	v1 =	vmul.f32 v1, v17;
	(erf) = vrcp.f32 v25;
	v38 =	vpop (erf);
	v40 =	vadd.f32 $1.000000000e+00, v13  }
0x15b: {  	v20 =	vld [tilespmem:s15+$0x50];
	v13 =	vadd.f32 v5, v3;
	[tilespmem:s22+$0xFFFFFF90] =	vst v38;
	(erf) = vrcp.f32 v24;
	v3 =	vsub.f32 v23, v12;
	v25 =	vpop (erf)  }
0x15c: {  	v11 =	vsub.f32 v28, v37;
	v18 =	vadd.f32 $1.000000000e+00, v18;
	v26 =	vld [tilespmem:s23+$0xFFFFFF90];
	(erf) = vrcp.f32 v14;
	[tilespmem:s22+$0xFFFFFFA0] =	vst v25;
	v24 =	vpop (erf)  }
0x15d: {  	v30 =	vsub.f32 v30, v21;
	v17 =	vld [tilespmem:s10+$0xFFFFFF90];
	(erf) = vrcp.f32 v63;
	v0 =	vmul.f32 v31, v3;
	[tilespmem:s22+$0xFFFFFFB0] =	vst v24;
	v23 =	vpop (erf)  }
0x15e: {  	v8 =	vmul.f32 v8, v11;
	v14 =	vadd.f32 v4, v27;
	v27 =	vld [tilespmem:s23+$0xFFFFFFA0];
	(erf) = vrcp.f32 v18;
	[tilespmem:s22+$0xFFFFFFC0] =	vst v23;
	v5 =	vpop (erf)  }
0x15f: {  	v4 =	vmul.f32 v10, v30;
	v30 =	vld [tilespmem:s10+$0xFFFFFFA0];
	v11 =	vadd.f32 v0, v12;
	(erf) = vrcp.f32 v40;
	[tilespmem:s22+$0xFFFFFFD0] =	vst v5;
	v3 =	vpop (erf)  }
0x160: {  	s11 =	simm.s32 $0x11600;
	v18 =	vsub.f32 v20, v62;
	v20 =	vadd.f32 v19, v16;
	v28 =	vld [tilespmem:s23+$0xFFFFFFB0];
	[tilespmem:s22+$0xFFFFFFE0] =	vst v3;
	v2 =	vpop (erf)  }
0x161: {  	v16 =	vadd.f32 v1, v56;
	v12 =	vmul.f32 v9, v29;
	v9 =	vsub.f32 v22, v39;
	v10 =	vld [tilespmem:s10+$0xFFFFFFB0];
	[tilespmem:s11+$0x70] =	vst v11;
	v0 =	vpop (erf)  }
0x162: {  	v21 =	vadd.f32 v4, v21;
	v29 =	vld [tilespmem:s23+$0xFFFFFFC0];
	v17 =	vsub.f32 v17, v26;
	[tilespmem:s22+$0xFFFFFFF0] =	vst v2;
	v1 =	vpop (erf)  }
0x163: {  	v22 =	vadd.f32 v8, v37;
	v18 =	vmul.f32 v6, v18;
	v31 =	vmul.f32 v7, v9;
	v9 =	vld [tilespmem:s10+$0xFFFFFFC0];
	[tilespmem:s22+$0x0] =	vst v0;
	v11 =	vpop (erf)  }
0x164: {  	s13 =	simm.s32 $0x7800;
	v19 =	vadd.f32 v12, v60;
	v7 =	vld [tilespmem:s23+$0xFFFFFFD0];
	v30 =	vsub.f32 v30, v27;
	v8 =	vmul.f32 v38, v17;
	[tilespmem:s22+$0xFFFFFF80] =	vst v11;
	v6 =	vpop (erf)  }
0x165: {  	s12 =	simm.s32 $0x2900;
	s14 =	simm.s32 $0x100;
	s15 =	simm.s32 $0xC800;
	v18 =	vadd.f32 v18, v62;
	v17 =	vadd.f32 v31, v39;
	[tilespmem:s22+$0x10] =	vst v1;
	v12 =	vld [tilespmem:s23+$0xFFFFFF80];
	v4 =	vpop (erf)  }
.LBB2_5:
0x166: {  	v31 =	vld [tilespmem:s15+$0x70];
	v26 =	vadd.f32 v8, v26;
	v25 =	vmul.f32 v25, v30;
	v30 =	vsub.f32 v10, v28;
	[tilespmem:s22+$0x20] =	vst v6;
	v10 =	vpop (erf)  }
0x167: {  	s14 =	sadd.s32 $0x100, s14;
	v32 =	vld [tilespmem:s15+$0xFFFFFF90];
	[tilespmem:s22+$0x30] =	vst v4;
	v8 =	vpop (erf)  }
0x168: {  	p1 =	slt.u32 s14, $0x2600;
	v33 =	vld [tilespmem:s15+$0xFFFFFFA0];
	v25 =	vadd.f32 v25, v27;
	v24 =	vmul.f32 v24, v30;
	v27 =	vsub.f32 v9, v29;
	[tilespmem:s22+$0x40] =	vst v10;
	v9 =	vpop (erf)  }
0x169: {  	v30 =	vld [tilespmem:s15+$0xFFFFFFB0];
	[tilespmem:s22+$0x50] =	vst v8  }
0x16a: {  	v34 =	vld [tilespmem:s15+$0xFFFFFFC0];
	v24 =	vadd.f32 v24, v28;
	v23 =	vmul.f32 v23, v27;
	[tilespmem:s22+$0x60] =	vst v9  }
0x16b: {  	v27 =	vld [tilespmem:s15+$0xFFFFFFD0];
	v28 =	vsub.f32 $0.0e+00, v31;
	[tilespmem:s11+$0xFFFFFF90] =	vst v26  }
0x16c: {  	v26 =	vsub.f32 $0.0e+00, v32;
	v31 =	vld [tilespmem:s15+$0xFFFFFFE0];
	[tilespmem:s11+$0xFFFFFFA0] =	vst v25;
	v23 =	vadd.f32 v23, v29  }
0x16d: {  	v25 =	vsub.f32 $0.0e+00, v33;
	v29 =	vld [tilespmem:s15+$0xFFFFFFF0];
	v28 =	vmul.f32 $1.442695020e+00, v28;
	[tilespmem:s11+$0xFFFFFFB0] =	vst v24  }
0x16e: {  	v24 =	vmul.f32 $1.442695020e+00, v26;
	v26 =	vsub.f32 $0.0e+00, v30;
	v30 =	vld [tilespmem:s15+$0x0];
	[tilespmem:s11+$0xFFFFFFC0] =	vst v23  }
0x16f: {  	v23 =	vmul.f32 $1.442695020e+00, v25;
	v25 =	vsub.f32 $0.0e+00, v34;
	v32 =	vld [tilespmem:s15+$0x10];
	(erf) = vpow2.f32 v28;
	[tilespmem:s21+$0xFFFFFFD0] =	vst v13  }
0x170: {  	v13 =	vmul.f32 $1.442695020e+00, v26;
	v26 =	vsub.f32 $0.0e+00, v27;
	v27 =	vld [tilespmem:s15+$0x20];
	(erf) = vpow2.f32 v24;
	[tilespmem:s21+$0xFFFFFFE0] =	vst v14  }
0x171: {  	v14 =	vmul.f32 $1.442695020e+00, v25;
	v24 =	vsub.f32 $0.0e+00, v31;
	v25 =	vld [tilespmem:s15+$0x30];
	(erf) = vpow2.f32 v23;
	[tilespmem:s21+$0xFFFFFFF0] =	vst v15  }
0x172: {  	v15 =	vmul.f32 $1.442695020e+00, v26;
	v23 =	vsub.f32 $0.0e+00, v29;
	v26 =	vld [tilespmem:s15+$0x40];
	(erf) = vpow2.f32 v13;
	[tilespmem:s21+$0x0] =	vst v20  }
0x173: {  	v13 =	vmul.f32 $1.442695020e+00, v24;
	v20 =	vsub.f32 $0.0e+00, v30;
	v24 =	vld [tilespmem:s15+$0x50];
	(erf) = vpow2.f32 v14;
	[tilespmem:s21+$0x10] =	vst v16  }
0x174: {  	v14 =	vmul.f32 $1.442695020e+00, v23;
	v16 =	vsub.f32 $0.0e+00, v32;
	v23 =	vld [tilespmem:s15+$0x60];
	(erf) = vpow2.f32 v15;
	[tilespmem:s21+$0x20] =	vst v21  }
0x175: {  	v15 =	vld [tilespmem:s15+$0xFFFFFF80];
	v20 =	vmul.f32 $1.442695020e+00, v20;
	v21 =	vsub.f32 $0.0e+00, v27;
	(erf) = vpow2.f32 v13;
	[tilespmem:s21+$0x30] =	vst v22  }
0x176: {  	v27 =	vmul.f32 $1.442695020e+00, v16;
	v16 =	vsub.f32 $0.0e+00, v25;
	(erf) = vpow2.f32 v14;
	v22 =	vld [tilespmem:s10+$0xFFFFFF80];
	[tilespmem:s21+$0x40] =	vst v19  }
0x177: {  	v19 =	vmul.f32 $1.442695020e+00, v21;
	v21 =	vsub.f32 $0.0e+00, v26;
	(erf) = vpow2.f32 v20;
	v20 =	vld [tilespmem:s10+$0xFFFFFFD0];
	[tilespmem:s21+$0x50] =	vst v18  }
0x178: {  	v16 =	vmul.f32 $1.442695020e+00, v16;
	v18 =	vsub.f32 $0.0e+00, v24;
	(erf) = vpow2.f32 v27;
	v13 =	vpop (erf);
	v14 =	vld [tilespmem:s23+$0xFFFFFFE0];
	[tilespmem:s21+$0x60] =	vst v17;
	s21 =	smov.u32 s11  }
0x179: {  	v17 =	vmul.f32 $1.442695020e+00, v21;
	v21 =	vsub.f32 $0.0e+00, v23;
	v13 =	vadd.f32 $1.000000000e+00, v13;
	v23 =	vpop (erf);
	v24 =	vld [tilespmem:s10+$0xFFFFFFE0]  }
0x17a: {  	v25 =	vsub.f32 $0.0e+00, v15;
	v18 =	vmul.f32 $1.442695020e+00, v18;
	v26 =	vpop (erf);
	(erf) = vpow2.f32 v19;
	v15 =	vld [tilespmem:s23+$0xFFFFFFF0]  }
0x17b: {  	v19 =	vadd.f32 $1.000000000e+00, v23;
	v21 =	vmul.f32 $1.442695020e+00, v21;
	v23 =	vpop (erf);
	(erf) = vrcp.f32 v13;
	v13 =	vld [tilespmem:s10+$0xFFFFFFF0]  }
0x17c: {  	v26 =	vadd.f32 $1.000000000e+00, v26;
	v29 =	vmul.f32 $1.442695020e+00, v25;
	v27 =	vpop (erf);
	(erf) = vpow2.f32 v16;
	v16 =	vld [tilespmem:s23+$0x0]  }
0x17d: {  	v23 =	vadd.f32 $1.000000000e+00, v23;
	v27 =	vadd.f32 $1.000000000e+00, v27;
	v28 =	vpop (erf);
	(erf) = vpow2.f32 v17;
	v17 =	vld [tilespmem:s10+$0x0]  }
0x17e: {  	v22 =	vsub.f32 v22, v12;
	v28 =	vadd.f32 $1.000000000e+00, v28;
	(erf) = vpow2.f32 v29;
	v25 =	vpop (erf);
	v29 =	vld [tilespmem:s23+$0x10]  }
0x17f: {  	v25 =	vadd.f32 $1.000000000e+00, v25;
	v30 =	vpop (erf);
	(erf) = vpow2.f32 v18;
	v18 =	vsub.f32 v20, v7;
	v20 =	vld [tilespmem:s10+$0x10]  }
0x180: {  	v30 =	vadd.f32 $1.000000000e+00, v30;
	v31 =	vpop (erf);
	(erf) = vpow2.f32 v21;
	v21 =	vsub.f32 v24, v14;
	v32 =	vld [tilespmem:s23+$0x20]  }
0x181: {  	v13 =	vsub.f32 v13, v15;
	v24 =	vadd.f32 $1.000000000e+00, v31;
	(erf) = vrcp.f32 v19;
	v19 =	vpop (erf);
	v31 =	vld [tilespmem:s10+$0x20]  }
0x182: {  	v19 =	vadd.f32 $1.000000000e+00, v19;
	(erf) = vrcp.f32 v26;
	v17 =	vsub.f32 v17, v16;
	v33 =	vld [tilespmem:s23+$0x30]  }
0x183: {  	v11 =	vmul.f32 v11, v22;
	(erf) = vrcp.f32 v23;
	v23 =	vpop (erf);
	v22 =	vld [tilespmem:s10+$0x30]  }
0x184: {  	s22 =	sadd.s32 $0x100, s22;
	v23 =	vadd.f32 $1.000000000e+00, v23;
	(erf) = vrcp.f32 v27;
	v34 =	vpop (erf);
	v20 =	vsub.f32 v20, v29;
	v35 =	vld [tilespmem:s23+$0x40]  }
0x185: {  	v11 =	vadd.f32 v11, v12;
	v5 =	vmul.f32 v5, v18;
	s23 =	sadd.s32 $0x100, s23;
	[tilespmem:s22+$0x70] =	vst v34;
	(erf) = vrcp.f32 v28;
	v26 =	vpop (erf);
	v12 =	vld [tilespmem:s10+$0x40]  }
0x186: {  	s10 =	sadd.s32 $0x100, s10;
	v18 =	vadd.f32 $1.000000000e+00, v26;
	v36 =	vld [tilespmem:s23+$0x70];
	(erf) = vrcp.f32 v25;
	v25 =	vpop (erf);
	v27 =	vsub.f32 v31, v32  }
0x187: {  	v3 =	vmul.f32 v3, v21;
	v28 =	vadd.f32 $1.000000000e+00, v25;
	v31 =	vld [tilespmem:s10+$0x70];
	v25 =	vpop (erf);
	(erf) = vrcp.f32 v30;
	[tilespmem:s11+$0xFFFFFF80] =	vst v11  }
0x188: {  	v11 =	vadd.f32 $1.000000000e+00, v25;
	(erf) = vrcp.f32 v24;
	v21 =	vpop (erf);
	v22 =	vsub.f32 v22, v33;
	v37 =	vld [tilespmem:s13+$0x50]  }
0x189: {  	v2 =	vmul.f32 v2, v13;
	v21 =	vadd.f32 $1.000000000e+00, v21;
	(erf) = vrcp.f32 v19;
	v19 =	vpop (erf);
	v30 =	vld [tilespmem:s12+$0x50]  }
0x18a: {  	v19 =	vadd.f32 $1.000000000e+00, v19;
	(erf) = vrcp.f32 v11;
	v38 =	vpop (erf);
	v11 =	vsub.f32 v12, v35;
	v39 =	vld [tilespmem:s13+$0x60];
	s13 =	smov.u32 s23  }
0x18b: {  	v13 =	vadd.f32 v5, v7;
	v7 =	vmul.f32 v0, v17;
	[tilespmem:s22+$0xFFFFFF90] =	vst v38;
	v25 =	vpop (erf);
	(erf) = vrcp.f32 v23;
	v0 =	vld [tilespmem:s12+$0x60];
	s12 =	smov.u32 s10  }
0x18c: {  	v1 =	vmul.f32 v1, v20;
	v26 =	vld [tilespmem:s23+$0xFFFFFF90];
	[tilespmem:s22+$0xFFFFFFA0] =	vst v25;
	v31 =	vsub.f32 v31, v36;
	v24 =	vpop (erf);
	(erf) = vrcp.f32 v18  }
0x18d: {  	v14 =	vadd.f32 v3, v14;
	v6 =	vmul.f32 v6, v27;
	v12 =	vld [tilespmem:s10+$0xFFFFFF90];
	[tilespmem:s22+$0xFFFFFFB0] =	vst v24;
	v23 =	vpop (erf);
	(erf) = vrcp.f32 v28  }
0x18e: {  	v27 =	vld [tilespmem:s23+$0xFFFFFFA0];
	[tilespmem:s22+$0xFFFFFFC0] =	vst v23;
	v17 =	vmul.f32 v34, v31;
	v5 =	vpop (erf);
	(erf) = vrcp.f32 v21;
	v18 =	vsub.f32 v30, v37  }
0x18f: {  	v15 =	vadd.f32 v2, v15;
	v4 =	vmul.f32 v4, v22;
	v30 =	vld [tilespmem:s10+$0xFFFFFFA0];
	[tilespmem:s22+$0xFFFFFFD0] =	vst v5;
	v3 =	vpop (erf);
	(erf) = vrcp.f32 v19  }
0x190: {  	v19 =	vmul.f32 v10, v11;
	v28 =	vld [tilespmem:s23+$0xFFFFFFB0];
	[tilespmem:s22+$0xFFFFFFE0] =	vst v3;
	v17 =	vadd.f32 v17, v36;
	v2 =	vpop (erf);
	v22 =	vsub.f32 v0, v39  }
.Ltmp1:
0x191: {  	v20 =	vadd.f32 v7, v16;
	s11 =	sadd.s32 $0x100, s11;
	v16 =	vadd.f32 v1, v29;
	v18 =	vmul.f32 v8, v18;
	v10 =	vld [tilespmem:s10+$0xFFFFFFB0];
	[tilespmem:s22+$0xFFFFFFF0] =	vst v2;
	v0 =	vpop (erf);
	(pc) =	sbr.rel @p1 .LBB2_5-.Ltmp1, $4  }
0x192: {  	v21 =	vadd.f32 v6, v32;
	v7 =	vsub.f32 v12, v26;
	v29 =	vld [tilespmem:s23+$0xFFFFFFC0];
	[tilespmem:s11+$0x70] =	vst v17;
	v1 =	vpop (erf);
	v17 =	vmul.f32 v9, v22  }
0x193: {  	v19 =	vadd.f32 v19, v35;
	v22 =	vadd.f32 v4, v33;
	v9 =	vld [tilespmem:s10+$0xFFFFFFC0];
	[tilespmem:s22+$0x0] =	vst v0;
	v11 =	vpop (erf)  }
0x194: {  	v18 =	vadd.f32 v18, v37;
	[tilespmem:s22+$0xFFFFFF80] =	vst v11;
	v8 =	vmul.f32 v38, v7;
	v30 =	vsub.f32 v30, v27;
	v7 =	vld [tilespmem:s23+$0xFFFFFFD0];
	v6 =	vpop (erf)  }
0x195: {  	s15 =	sadd.s32 $0x100, s15;
	v17 =	vadd.f32 v17, v39;
	v12 =	vld [tilespmem:s23+$0xFFFFFF80];
	[tilespmem:s22+$0x10] =	vst v1;
	v4 =	vpop (erf)  }
0x196: {  	v31 =	vld [tilespmem:s10+$0xFFFFFF80]  }
0x197: {  	[tilespmem:s22+$0x20] =	vst v6;
	v60 =	vld [tilespmem:s10+$0xFFFFFFD0]  }
0x198: {  	[tilespmem:s22+$0x30] =	vst v4;
	v32 =	vld [tilespmem:s23+$0xFFFFFFE0]  }
0x199: {  	v62 =	vld [tilespmem:s10+$0xFFFFFFE0];
	[tilespmem:s21+$0xFFFFFFD0] =	vst v13  }
0x19a: {  	v63 =	vld [tilespmem:s23+$0xFFFFFFF0];
	[tilespmem:s21+$0xFFFFFFE0] =	vst v14  }
0x19b: {  	v34 =	vld [tilespmem:s10+$0xFFFFFFF0];
	[tilespmem:s21+$0xFFFFFFF0] =	vst v15  }
0x19c: {  	v35 =	vld [tilespmem:s23+$0x0];
	[tilespmem:s21+$0x0] =	vst v20  }
0x19d: {  	v36 =	vld [tilespmem:s10+$0x0];
	[tilespmem:s21+$0x10] =	vst v16  }
0x19e: {  	v37 =	vld [tilespmem:s23+$0x10];
	[tilespmem:s21+$0x20] =	vst v21  }
0x19f: {  	v38 =	vld [tilespmem:s10+$0x10];
	[tilespmem:s21+$0x30] =	vst v22  }
0x1a0: {  	[tilespmem:s21+$0x40] =	vst v19;
	v39 =	vld [tilespmem:s23+$0x20]  }
0x1a1: {  	v61 =	vpop (erf);
	[tilespmem:s21+$0x50] =	vst v18;
	v40 =	vld [tilespmem:s10+$0x20]  }
0x1a2: {  	v10 =	vsub.f32 v10, v28;
	v8 =	vadd.f32 v8, v26;
	[tilespmem:s22+$0x40] =	vst v61;
	v41 =	vld [tilespmem:s23+$0x30]  }
0x1a3: {  	v25 =	vmul.f32 v25, v30;
	v42 =	vld [tilespmem:s10+$0x30];
	[tilespmem:s21+$0x60] =	vst v17;
	v9 =	vsub.f32 v9, v29  }
0x1a4: {  	v33 =	vpop (erf);
	v10 =	vmul.f32 v24, v10;
	[tilespmem:s11+$0xFFFFFF90] =	vst v8;
	v44 =	vld [tilespmem:s23+$0x40];
	v43 =	vsub.f32 v31, v12  }
0x1a5: {  	v25 =	vadd.f32 v25, v27;
	[tilespmem:s22+$0x50] =	vst v33;
	v46 =	vld [tilespmem:s10+$0x40];
	v47 =	vpop (erf);
	v9 =	vmul.f32 v23, v9;
	v45 =	vsub.f32 v60, v7  }
0x1a6: {  	v48 =	vld [tilespmem:s13+$0x50];
	[tilespmem:s22+$0x60] =	vst v47;
	v10 =	vadd.f32 v10, v28;
	v24 =	vsub.f32 v62, v32;
	v11 =	vmul.f32 v11, v43  }
0x1a7: {  	v49 =	vld [tilespmem:s12+$0x50];
	[tilespmem:s11+$0xFFFFFFA0] =	vst v25;
	v25 =	vsub.f32 v34, v63;
	v9 =	vadd.f32 v9, v29;
	v5 =	vmul.f32 v5, v45  }
0x1a8: {  	v50 =	vld [tilespmem:s13+$0x60];
	v13 =	vsub.f32 v38, v37;
	[tilespmem:s11+$0xFFFFFFB0] =	vst v10;
	v3 =	vmul.f32 v3, v24;
	v11 =	vadd.f32 v11, v12  }
0x1a9: {  	v51 =	vld [tilespmem:s12+$0x60];
	v10 =	vsub.f32 v36, v35;
	v2 =	vmul.f32 v2, v25;
	[tilespmem:s11+$0xFFFFFFC0] =	vst v9;
	v5 =	vadd.f32 v5, v7  }
0x1aa: {  	v15 =	vsub.f32 v40, v39;
	v1 =	vmul.f32 v1, v13;
	v3 =	vadd.f32 v3, v32;
	[tilespmem:s11+$0xFFFFFF80] =	vst v11  }
0x1ab: {  	v52 =	vsub.f32 v42, v41;
	v0 =	vmul.f32 v0, v10;
	v2 =	vadd.f32 v2, v63;
	[tilespmem:s11+$0xFFFFFFD0] =	vst v5  }
0x1ac: {  	v53 =	vsub.f32 v46, v44;
	v54 =	vmul.f32 v6, v15;
	v1 =	vadd.f32 v1, v37;
	[tilespmem:s11+$0xFFFFFFE0] =	vst v3  }
0x1ad: {  	v55 =	vsub.f32 v49, v48;
	v56 =	vmul.f32 v4, v52;
	v0 =	vadd.f32 v0, v35;
	[tilespmem:s11+$0xFFFFFFF0] =	vst v2  }
0x1ae: {  	v57 =	vmul.f32 v61, v53;
	v58 =	vsub.f32 v51, v50;
	v6 =	vadd.f32 v54, v39;
	[tilespmem:s11+$0x10] =	vst v1  }
0x1af: {  	v59 =	vmul.f32 v33, v55;
	v60 =	vadd.f32 v56, v41;
	[tilespmem:s11+$0x0] =	vst v0  }
0x1b0: {  	v61 =	vmul.f32 v47, v58;
	v2 =	vadd.f32 v57, v44;
	[tilespmem:s11+$0x20] =	vst v6  }
0x1b1: {  	v0 =	vadd.f32 v59, v48;
	[tilespmem:s11+$0x30] =	vst v60  }
0x1b2: {  	v1 =	vadd.f32 v61, v50;
	[tilespmem:s11+$0x40] =	vst v2  }
0x1b3: {  	[tilespmem:s11+$0x50] =	vst v0  }
0x1b4: {  	[tilespmem:s11+$0x60] =	vst v1  }
0x1b5: {  	v0 =	vld [tilespmem:$0xEC80];
	_ =	sdelay $0x4  }
0x1b6: {  	v0 =	vsub.f32 $0.0e+00, v0;
	_ =	sdelay $0x1  }
0x1b7: {  	v0 =	vmul.f32 $1.442695020e+00, v0;
	_ =	sdelay $0x1  }
0x1b8: {  	(erf) = vpow2.f32 v0;
	_ =	sdelay $0x8  }
0x1b9: {  	v0 =	vpop (erf)  }
0x1ba: {  	v0 =	vadd.f32 $1.000000000e+00, v0;
	_ =	sdelay $0x1  }
0x1bb: {  	(erf) = vrcp.f32 v0;
	_ =	sdelay $0x1  }
0x1bc: {  	v62 =	vld [tilespmem:$0x9D80]  }
0x1bd: {  	v1 =	vld [tilespmem:$0x4E80];
	_ =	sdelay $0x4  }
0x1be: {  	v1 =	vsub.f32 v1, v62  }
0x1bf: {  	v63 =	vpop (erf)  }
0x1c0: {  	v1 =	vmul.f32 v63, v1;
	_ =	sdelay $0x1  }
0x1c1: {  	s10 =	sadd.s32 @!p0 s20, s17;
	v0 =	vadd.f32 v1, v62  }
0x1c2: {  	s10 =	sshrl.u32 @!p0 s10, $0x3;
	[tilespmem:$0x18A80] =	vst v63  }
0x1c3: {  	s12 =	simm.s32 @!p0 $0x0;
	s13 =	simm.s32 @!p0 $0x2780;
	s11 =	sadd.s32 @!p0 s0, s10;
	[tilespmem:$0x13B80] =	vst v0  }
0x1c4: {  	[tilespmem:s13], [sflag:$0x2] =	stream.linear.gather @!p0 [hbm4b:s11+s12], $0x2710, $0x38;
	[tilespmem:$0x18B00] =	vst v63  }
0x1c5: {  	s11 =	sadd.s32 @!p0 s2, s10;
	s13 =	simm.s32 @!p0 $0x7680  }
0x1c6: {  	[tilespmem:s13], [sflag:$0x2] =	stream.linear.gather @!p0 [hbm4b:s11+s12], $0x2710, $0x38;
	[tilespmem:$0x18B00] =	vst v63  }
0x1c7: {  	s19 =	sadd.s32 $0x1, s19;
	s10 =	sadd.s32 @!p0 s3, s10;
	s11 =	simm.s32 @!p0 $0xC580  }
0x1c8: {  	[tilespmem:s11], [sflag:$0x2] =	stream.linear.gather @!p0 [hbm4b:s10+s12], $0x2710, $0x38;
	[tilespmem:$0x18B00] =	vst v63  }
0x1c9: {  	s22 =	sadd.s32 s20, s9;
	p0 =	sne.s32 s19, $0x14  }
.Ltmp2:
0x1ca: {  	s10 =	sshrl.u32 s22, $0x3;
	(pc) =	sbr.rel @p0 .LBB2_2-.Ltmp2, $4  }
0x1cb: {  	s23 =	sadd.s32 s5, s10  }
0x1cc: {  	[hbm4b:s23+s7] =	stream.linear.scatter [tilespmem:s29], [sflag:$0x4], $0x2710, $0x38;
	[tilespmem:$0x18B00] =	vst v63  }
0x1cd: {  	s10 =	sadd.s32 s6, s10  }
0x1ce: {  	[hbm4b:s10+s7] =	stream.linear.scatter [tilespmem:s30], [sflag:$0x4], $0x2710, $0x38;
	[tilespmem:$0x18B00] =	vst v63  }
0x1cf: {  	_ =	swait.ge [sflag:s31], $0x2710  }
0x1d0: {  	[sflag:s31] =	ssyncset.done $0x0  }
0x1d1: {  	[sflag:s31] =	ssyncadd.s32 $0xFFFFD8F0  }
0x1d2: {  	_ =	swait.ge [sflag:s31], $0x2710  }
0x1d3: {  	[sflag:s31] =	ssyncset.done $0x0  }
0x1d4: {  	s1 =	sadd.s32 $0x1, s1;
	[sflag:s31] =	ssyncadd.s32 $0xFFFFD8F0  }
0x1d5: {  	p0 =	sne.s32 s1, s18;
	_ =	swait.ge [sflag:s4], $0x2710  }
.Ltmp3:
0x1d6: {  	[sflag:s4] =	ssyncset.done $0x0;
	(pc) =	sbr.rel @p0 .LBB2_1-.Ltmp3, $4  }
0x1d7: {  	[sflag:s4] =	ssyncadd.s32 $0xFFFFD8F0  }
0x1d8: {  	_ =	swait.ge [sflag:s4], $0x2710  }
0x1d9: {  	[sflag:s4] =	ssyncset.done $0x0  }
0x1da: {  	[sflag:s4] =	ssyncadd.s32 $0xFFFFD8F0  }
0x1db: {  	_ =	sfence.sel $0x180000  }
0x1dc: {  	[bflag:$0x0] =	sbarrier.arrive $0xFFFF  }
0x1dd: {  	_ =	strace $0x90000047  }
0x1de: {  	s0 =	stileid.u32;
	[bflag:$0x2] =	sbarrier.arrive $0xFFFF  }
0x1df: {  	p0 =	sne.s32 s0, $0x0;
	s0 =	rddreg [dreg:$0x5]  }
0x1e0: {  	s0 =	sadd.s32 @!p0 $0x100000, s0  }
0x1e1: {  	[sflag:s0] =	ssyncadd.tile.s32 @!p0 $0x1;
	_ =	shalt  }
.Lfunc_end2:
_tile_overlayer_lowered:
.L_overlay_start_2:
0x1e2: {  	(tag) =	ssettag $0x2  }
0x1e3: {  	s0 =	rddreg [dreg:$0x0];
	s2 =	stileid.u32  }
0x1e4: {  	s1 =	rddreg [dreg:$0x1];
	p0 =	sne.s32 s2, $0x0  }
0x1e5: {  	s3 =	rddreg [dreg:$0x2];
	[bflag:$0x3] =	sbarrier.arrive $0xFFFF;
	s2 =	simm.s32 @!p0 $0x1C05  }
0x1e6: {  	[timem:s3], [sflag:s2] =	dma.local @!p0 [hbm:s0], s1  }
0x1e7: {  	s0 =	simm.s32 @!p0 $0x5  }
0x1e8: {  	_ =	swait.ge @!p0 [sflag:s0], s1  }
0x1e9: {  	s1 =	ssub.s32 @!p0 $0x0, s1;
	[sflag:s0] =	ssyncset.done @!p0 $0x0  }
0x1ea: {  	[sflag:s0] =	ssyncadd.s32 @!p0 s1  }
0x1eb: {  	[bflag:$0x3] =	sbarrier.arrive $0xFFFF  }
0x1ec: {  	_ =	shalt  }

</sc_bundles>
